<compile_context>
chip_gen: v7x
topology: tpu7x:2x2x1
jax: 0.10.2.dev20260603
libtpu: 0.0.44.dev20260713+nightly
codegen_flags: <defaults>
</compile_context>

<pallas_src>
import functools

import jax
import jax.numpy as jnp
from jax import lax
from jax.experimental import pallas as pl
from jax.experimental.pallas import tpu as pltpu
from jax.experimental.pallas import tpu_sc as plsc

T = 17
H = 512
TN = 34
TD = 512
BS = 512
BB = 128
G = BS // BB
RB = 1024
DH = 32
EPS = 1e-5


def _mm(a, b):
    return jnp.dot(a, b, preferred_element_type=jnp.float32)


def _ln_local(x, g, b):
    mu = jnp.mean(x, axis=-1, keepdims=True)
    var = jnp.mean((x - mu) ** 2, axis=-1, keepdims=True)
    return (x - mu) / jnp.sqrt(var + EPS) * g + b


def _full(shape):
    r = len(shape)
    return pl.BlockSpec(shape, lambda i, _r=r: (0,) * _r)


def _vq_body(E, cbT, cbn, idx_out):
    best = jnp.full((RB,), jnp.inf, jnp.float32)
    besti = jnp.zeros((RB,), jnp.int32)
    for c in range(4):
        ct = cbT[:, c * 512:(c + 1) * 512]
        cn = cbn[0, c * 512:(c + 1) * 512]
        d = cn[None, :] - 2.0 * _mm(E[...], ct)
        li = jnp.argmin(d, axis=1).astype(jnp.int32)
        lv = jnp.min(d, axis=1)
        upd = lv < best
        besti = jnp.where(upd, li + c * 512, besti)
        best = jnp.where(upd, lv, best)
    idx_out[...] = besti


def _vq_argmin(E, codebook):
    return pl.pallas_call(
        _vq_body,
        grid=(E.shape[0] // RB,),
        in_specs=[pl.BlockSpec((RB, TD), lambda i: (i, 0)),
                  _full((TD, 2048)), _full((1, 2048))],
        out_specs=pl.BlockSpec((RB,), lambda i: (i,)),
        out_shape=jax.ShapeDtypeStruct((E.shape[0],), jnp.int32),
        compiler_params=pltpu.CompilerParams(
            dimension_semantics=("arbitrary",)),
    )(E, codebook.T, jnp.sum(codebook ** 2, axis=1)[None, :])


def _sc_gather(codebook, idx):
    n = idx.shape[0]
    info = plsc.get_sparse_core_info()
    nw = info.num_cores * info.num_subcores
    per_w = n // nw
    chunks = [(0, 128), (128, 128), (256, 128), (384, 128), (512, 32)]
    mesh = plsc.VectorSubcoreMesh(core_axis_name="c", subcore_axis_name="s")

    @functools.partial(
        pl.kernel,
        out_type=jax.ShapeDtypeStruct((n, TD), jnp.float32),
        mesh=mesh,
        scratch_types=[
            pltpu.VMEM((128,), jnp.int32),
            pltpu.VMEM((128, TD), jnp.float32),
            pltpu.VMEM((32,), jnp.int32),
            pltpu.VMEM((32, TD), jnp.float32),
            pltpu.SemaphoreType.DMA,
        ],
    )
    def k(table_hbm, idx_hbm, out_hbm, idx_v, rows_v, idx_s, rows_s, sem):
        wid = lax.axis_index("s") * info.num_cores + lax.axis_index("c")
        base = wid * per_w
        for off, sz in chunks:
            iv, rv = (idx_v, rows_v) if sz == 128 else (idx_s, rows_s)
            pltpu.sync_copy(idx_hbm.at[pl.ds(base + off, sz)], iv)
            pltpu.async_copy(table_hbm.at[iv], rv, sem).wait()
            pltpu.sync_copy(rv, out_hbm.at[pl.ds(base + off, sz)])

    return k(codebook, idx)


def _dec_body(part, dtokWt, dtokb, dsW, dsb,
              l1g, l1b, l2g, l2b, tW1t, tb1, tW2t, tb2, cW1, cb1, cW2, cb2,
              dlng, dlnb, recW, recb, out):
    p = (_mm(dtokWt[...], part[...].reshape(TN, BB * TD)) + dtokb[...])
    p = p.reshape(T, BB, TD)
    x = (_mm(p.reshape(T * BB, TD), dsW[...]) + dsb[0][None, :])
    x = x.reshape(T, BB, DH)

    y = _ln_local(x, l1g[0][None, None, :], l1b[0][None, None, :])
    ym = y.reshape(T, BB * DH)
    t1 = jax.nn.gelu(_mm(tW1t[...], ym) + tb1[...])
    yt = (_mm(tW2t[...], t1) + tb2[...]).reshape(T, BB, DH)
    x1 = x + yt
    z = _ln_local(x1, l2g[0][None, None, :], l2b[0][None, None, :])
    zm = z.reshape(T * BB, DH)
    c1 = jax.nn.gelu(_mm(zm, cW1[...]) + cb1[0][None, :])
    c2 = (_mm(c1, cW2[...]) + cb2[0][None, :]).reshape(T, BB, DH)
    x = x1 + c2

    x = _ln_local(x, dlng[0][None, None, :], dlnb[0][None, None, :])
    r = (_mm(x.reshape(T * BB, DH), recW[...]) + recb[0][None, :])
    out[...] = r.reshape(T, BB, 2)


def _dec_call(partN, *ws):
    ins = [partN] + list(ws)
    specs = [pl.BlockSpec((TN, BB, TD), lambda i: (0, i, 0))]
    specs += [_full(a.shape) for a in ws]
    return pl.pallas_call(
        _dec_body,
        grid=(G,),
        in_specs=specs,
        out_specs=pl.BlockSpec((T, BB, 2), lambda i: (0, i, 0)),
        out_shape=jax.ShapeDtypeStruct((T, BS, 2), jnp.float32),
        compiler_params=pltpu.CompilerParams(
            dimension_semantics=("arbitrary",)),
    )(*ins)


def kernel(feature_map, joints, cls_logits, rand_mask, params, codebook):
    del cls_logits
    p = params

    ef = feature_map.mean(axis=1) @ p['start_W'] + p['start_b']
    vis = jnp.logical_and(rand_mask > 0.2, joints[:, :, -1] != 0)
    w = vis[..., None].astype(ef.dtype)
    ef = ef * w + p['invisible_token'] * (1.0 - w)
    for blk in p['enc']:
        y = _ln_local(ef, blk['ln1_g'], blk['ln1_b'])
        y = jnp.swapaxes(y, 1, 2)
        y = jax.nn.gelu(y @ blk['tW1'] + blk['tb1']) @ blk['tW2'] + blk['tb2']
        y = jnp.swapaxes(y, 1, 2)
        z = _ln_local(ef + y, blk['ln2_g'], blk['ln2_b'])
        z = jax.nn.gelu(z @ blk['cW1'] + blk['cb1']) @ blk['cW2'] + blk['cb2']
        ef = ef + y + z
    ef = _ln_local(ef, p['enc_ln_g'], p['enc_ln_b'])
    ef = jnp.swapaxes(ef, 1, 2)
    ef = ef @ p['tokW'] + p['tokb']
    ef = jnp.swapaxes(ef, 1, 2)
    E = (ef @ p['featW'] + p['featb']).reshape(BS * TN, TD)

    encoding_indices = _vq_argmin(E, codebook)
    idxN = encoding_indices.reshape(BS, TN).T.reshape(-1)
    partN = _sc_gather(codebook, idxN)

    dec = p['dec'][0]
    rec = _dec_call(
        partN.reshape(TN, BS, TD),
        p['dec_tokW'].T, p['dec_tokb'][:, None],
        p['dec_startW'], p['dec_startb'][None, :],
        dec['ln1_g'][None, :], dec['ln1_b'][None, :],
        dec['ln2_g'][None, :], dec['ln2_b'][None, :],
        dec['tW1'].T, dec['tb1'][:, None], dec['tW2'].T, dec['tb2'][:, None],
        dec['cW1'], dec['cb1'][None, :], dec['cW2'], dec['cb2'][None, :],
        p['dec_ln_g'][None, :], p['dec_ln_b'][None, :],
        p['recW'], p['recb'][None, :])

    recovered = jnp.transpose(rec, (1, 0, 2))
    return recovered, encoding_indices

# --- scband reference (transcript-rebuilt; emitter-appended) ---
"""Pipeline reference for scband-pct-tokenizer-59356448031601 (READ-ONLY COPY).

The authoritative reference and input builder live on the scoring server;
editing this copy changes nothing except your own understanding.
"""

import jax, jax.numpy as jnp
import numpy as np

NUM_JOINTS = 17
ENC_HID = 512
ENC_INTER = 512
ENC_TOK_INTER = 64
ENC_BLOCKS = 4
DEC_HID = 32
DEC_INTER = 64
DEC_TOK_INTER = 64
DEC_BLOCKS = 1
TOKEN_NUM = 34
TOKEN_CLASS = 2048
TOKEN_DIM = 512
DROP_RATE = 0.2
BS = 512


def _linear(key, din, dout):
    k1, k2 = jax.random.split(key)
    lim = 1.0 / np.sqrt(din)
    W = jax.random.uniform(k1, (din, dout), minval=-lim, maxval=lim, dtype=jnp.float32)
    b = jax.random.uniform(k2, (dout,), minval=-lim, maxval=lim, dtype=jnp.float32)
    return W, b


def _mixer_params(key, hid, hid_inter, tok, tok_inter):
    ks = jax.random.split(key, 4)
    tW1, tb1 = _linear(ks[0], tok, tok_inter)
    tW2, tb2 = _linear(ks[1], tok_inter, tok)
    cW1, cb1 = _linear(ks[2], hid, hid_inter)
    cW2, cb2 = _linear(ks[3], hid_inter, hid)
    return {'ln1_g': jnp.ones(hid), 'ln1_b': jnp.zeros(hid),
            'ln2_g': jnp.ones(hid), 'ln2_b': jnp.zeros(hid),
            'tW1': tW1, 'tb1': tb1, 'tW2': tW2, 'tb2': tb2,
            'cW1': cW1, 'cb1': cb1, 'cW2': cW2, 'cb2': cb2}


def setup_inputs(seed: int = 0):
    key = jax.random.key(seed)
    ks = jax.random.split(key, 16)
    feature_map = jax.random.normal(ks[0], (BS, 4, NUM_JOINTS, 2), dtype=jnp.float32)
    joints = jax.random.uniform(ks[1], (BS, NUM_JOINTS, 3), dtype=jnp.float32)
    cls_logits = jax.random.normal(ks[2], (BS * TOKEN_NUM, TOKEN_CLASS), dtype=jnp.float32)
    rand_mask = jax.random.uniform(ks[3], (BS, NUM_JOINTS), dtype=jnp.float32)
    params = {}
    params['invisible_token'] = 0.02 * jax.random.truncated_normal(ks[4], -1.0, 1.0, (1, 1, ENC_HID), dtype=jnp.float32)
    params['start_W'], params['start_b'] = _linear(ks[5], 2, ENC_HID)
    params['enc'] = [_mixer_params(jax.random.fold_in(ks[6], i), ENC_HID, ENC_INTER, NUM_JOINTS, ENC_TOK_INTER) for i in range(ENC_BLOCKS)]
    params['enc_ln_g'] = jnp.ones(ENC_HID)
    params['enc_ln_b'] = jnp.zeros(ENC_HID)
    params['tokW'], params['tokb'] = _linear(ks[7], NUM_JOINTS, TOKEN_NUM)
    params['featW'], params['featb'] = _linear(ks[8], ENC_HID, TOKEN_DIM)
    params['dec_tokW'], params['dec_tokb'] = _linear(ks[9], TOKEN_NUM, NUM_JOINTS)
    params['dec_startW'], params['dec_startb'] = _linear(ks[10], TOKEN_DIM, DEC_HID)
    params['dec'] = [_mixer_params(jax.random.fold_in(ks[11], i), DEC_HID, DEC_INTER, NUM_JOINTS, DEC_TOK_INTER) for i in range(DEC_BLOCKS)]
    params['dec_ln_g'] = jnp.ones(DEC_HID)
    params['dec_ln_b'] = jnp.zeros(DEC_HID)
    params['recW'], params['recb'] = _linear(ks[12], DEC_HID, 2)
    codebook = jax.random.normal(ks[13], (TOKEN_CLASS, TOKEN_DIM), dtype=jnp.float32)
    return {'feature_map': feature_map, 'joints': joints, 'cls_logits': cls_logits,
            'rand_mask': rand_mask, 'params': params, 'codebook': codebook}


def _ln(x, g, b, eps=1e-5):
    mu = x.mean(-1, keepdims=True)
    var = ((x - mu) ** 2).mean(-1, keepdims=True)
    return (x - mu) / jnp.sqrt(var + eps) * g + b


def _mlp(x, W1, b1, W2, b2):
    return jax.nn.gelu(x @ W1 + b1) @ W2 + b2


def _mixer(x, p):
    y = _ln(x, p['ln1_g'], p['ln1_b'])
    y = jnp.swapaxes(y, 1, 2)
    y = _mlp(y, p['tW1'], p['tb1'], p['tW2'], p['tb2'])
    y = jnp.swapaxes(y, 1, 2)
    z = _ln(x + y, p['ln2_g'], p['ln2_b'])
    z = _mlp(z, p['cW1'], p['cb1'], p['cW2'], p['cb2'])
    return x + y + z


def _forward(feature_map, joints, rand_mask, params, codebook):
    bs = feature_map.shape[0]
    encode_feat = feature_map.mean(axis=1) @ params['start_W'] + params['start_b']
    joints_visible = jnp.logical_and(rand_mask > DROP_RATE, joints[:, :, -1] != 0)
    w = joints_visible[..., None].astype(encode_feat.dtype)
    encode_feat = encode_feat * w + params['invisible_token'] * (1.0 - w)
    for p in params['enc']:
        encode_feat = _mixer(encode_feat, p)
    encode_feat = _ln(encode_feat, params['enc_ln_g'], params['enc_ln_b'])
    encode_feat = jnp.swapaxes(encode_feat, 1, 2)
    encode_feat = encode_feat @ params['tokW'] + params['tokb']
    encode_feat = jnp.swapaxes(encode_feat, 1, 2)
    encode_feat = (encode_feat @ params['featW'] + params['featb']).reshape(bs * TOKEN_NUM, TOKEN_DIM)
    distances = (jnp.sum(encode_feat ** 2, axis=1, keepdims=True)
                 + jnp.sum(codebook ** 2, axis=1)
                 - 2.0 * encode_feat @ codebook.T)
    encoding_indices = jnp.argmin(distances, axis=1)
    encodings = jax.nn.one_hot(encoding_indices, TOKEN_CLASS, dtype=encode_feat.dtype)
    part = (encodings @ codebook).reshape(bs, TOKEN_NUM, TOKEN_DIM)
    part = jnp.swapaxes(part, 1, 2)
    part = part @ params['dec_tokW'] + params['dec_tokb']
    part = jnp.swapaxes(part, 1, 2)
    decode_feat = part @ params['dec_startW'] + params['dec_startb']
    for p in params['dec']:
        decode_feat = _mixer(decode_feat, p)
    decode_feat = _ln(decode_feat, params['dec_ln_g'], params['dec_ln_b'])
    recovered = decode_feat @ params['recW'] + params['recb']
    return recovered, encoding_indices


def reference(feature_map, joints, cls_logits, rand_mask, params, codebook):
    recovered, encoding_indices = _forward(feature_map, joints, rand_mask, params, codebook)
    return (recovered, encoding_indices)

if __name__ == "__main__":
    import jax
    _d = setup_inputs()
    print(jax.jit(kernel)(*tuple(_d.values())))

</pallas_src>

<mosaic_0001>
#map = affine_map<(d0, d1) -> (0, 0)>
#map1 = affine_map<(d0, d1) -> (0)>
module attributes {stable_mosaic.version = 14 : i64} {
  func.func @k(%arg0: i32, %arg1: i32, %arg2: memref<2048x512xf32, #tpu.memory_space<hbm>>, %arg3: memref<17408xi32, #tpu.memory_space<hbm>>, %arg4: memref<17408x512xf32, #tpu.memory_space<hbm>>, %arg5: memref<128xi32, #tpu.memory_space<vmem>>, %arg6: memref<128x512xf32, #tpu.memory_space<vmem>>, %arg7: memref<32xi32, #tpu.memory_space<vmem>>, %arg8: memref<32x512xf32, #tpu.memory_space<vmem>>, %arg9: memref<!tpu.dma_semaphore, #tpu.memory_space<semaphore_mem>>) attributes {dimension_semantics = [#tpu.dimension_semantics<core_parallel>, #tpu.dimension_semantics<subcore_parallel>], iteration_bounds = array<i64: 2, 16>, scalar_prefetch = 0 : i64, scratch_operands = 5 : i64, tpu.core_type = #tpu.core_type<sc_vector_subcore>, window_params = [{transform_indices = #map}, {transform_indices = #map1}, {transform_indices = #map}]} {
    %mul3A = arith.constant 2 : i32
    %mul3A_0 = arith.muli %arg1, %mul3A : i32
    %add3A = arith.addi %mul3A_0, %arg0 : i32
    %mul3A_1 = arith.constant 544 : i32
    %mul3A_2 = arith.muli %add3A, %mul3A_1 : i32
    %add3A_3 = arith.constant 0 : i32
    %add3A_4 = arith.addi %mul3A_2, %add3A_3 : i32
    "tpu.region"() ({
      %run_scoped3A = tpu.sem_alloc : memref<!tpu.dma_semaphore, #tpu.memory_space<semaphore_mem>>
      %dma_start3A_51 = tpu.memref_slice %arg3[%add3A_4] : memref<17408xi32, #tpu.memory_space<hbm>> -> memref<128xi32, #tpu.memory_space<hbm>>
      %dma_start3A_52 = tpu.memref_slice %arg3[%add3A_4] : memref<17408xi32, #tpu.memory_space<hbm>> -> memref<128xi32, #tpu.memory_space<hbm>>
      tpu.enqueue_dma source(%dma_start3A_52 : memref<128xi32, #tpu.memory_space<hbm>>) target(%arg5 : memref<128xi32, #tpu.memory_space<vmem>>) target_semaphore(%run_scoped3A : memref<!tpu.dma_semaphore, #tpu.memory_space<semaphore_mem>>)
      %dma_wait3A_53 = tpu.memref_slice %arg3[%add3A_4] : memref<17408xi32, #tpu.memory_space<hbm>> -> memref<128xi32, #tpu.memory_space<hbm>>
      %dma_wait3A_54 = tpu.memref_slice %arg3[%add3A_4] : memref<17408xi32, #tpu.memory_space<hbm>> -> memref<128xi32, #tpu.memory_space<hbm>>
      tpu.wait_dma2 semaphore(%run_scoped3A : memref<!tpu.dma_semaphore, #tpu.memory_space<semaphore_mem>>) src(%dma_wait3A_54 : memref<128xi32, #tpu.memory_space<hbm>>) dst(%arg5 : memref<128xi32, #tpu.memory_space<vmem>>)
      tpu.yield
    }) : () -> ()
    %dma_start3A = arith.constant 0 : i32
    %dma_start3A_5 = arith.constant 0 : i32
    %dma_start3A_6 = tpu.memref_slice %arg2[%dma_start3A, %dma_start3A_5] : memref<2048x512xf32, #tpu.memory_space<hbm>> -> memref<2048x512xf32, #tpu.memory_space<hbm>>
    tpu.enqueue_indirect_dma source(%dma_start3A_6 : memref<2048x512xf32, #tpu.memory_space<hbm>>) target(%arg6 : memref<128x512xf32, #tpu.memory_space<vmem>>) offsets(%arg5 : memref<128xi32, #tpu.memory_space<vmem>>) semaphore(%arg9 : memref<!tpu.dma_semaphore, #tpu.memory_space<semaphore_mem>>)
    %dma_wait3A = arith.constant 0 : i32
    %dma_wait3A_7 = arith.constant 0 : i32
    %dma_wait3A_8 = tpu.memref_slice %arg2[%dma_wait3A, %dma_wait3A_7] : memref<2048x512xf32, #tpu.memory_space<hbm>> -> memref<2048x512xf32, #tpu.memory_space<hbm>>
    tpu.wait_indirect_dma semaphore(%arg9 : memref<!tpu.dma_semaphore, #tpu.memory_space<semaphore_mem>>) src(%dma_wait3A_8 : memref<2048x512xf32, #tpu.memory_space<hbm>>) dst(%arg6 : memref<128x512xf32, #tpu.memory_space<vmem>>)
    %add3A_9 = arith.constant 0 : i32
    %add3A_10 = arith.addi %mul3A_2, %add3A_9 : i32
    "tpu.region"() ({
      %run_scoped3A = tpu.sem_alloc : memref<!tpu.dma_semaphore, #tpu.memory_space<semaphore_mem>>
      %dma_start3A_51 = arith.constant 0 : i32
      %dma_start3A_52 = tpu.memref_slice %arg4[%add3A_10, %dma_start3A_51] : memref<17408x512xf32, #tpu.memory_space<hbm>> -> memref<128x512xf32, #tpu.memory_space<hbm>>
      %dma_start3A_53 = arith.constant 0 : i32
      %dma_start3A_54 = tpu.memref_slice %arg4[%add3A_10, %dma_start3A_53] : memref<17408x512xf32, #tpu.memory_space<hbm>> -> memref<128x512xf32, #tpu.memory_space<hbm>>
      tpu.enqueue_dma source(%arg6 : memref<128x512xf32, #tpu.memory_space<vmem>>) target(%dma_start3A_54 : memref<128x512xf32, #tpu.memory_space<hbm>>) target_semaphore(%run_scoped3A : memref<!tpu.dma_semaphore, #tpu.memory_space<semaphore_mem>>)
      %dma_wait3A_55 = arith.constant 0 : i32
      %dma_wait3A_56 = tpu.memref_slice %arg4[%add3A_10, %dma_wait3A_55] : memref<17408x512xf32, #tpu.memory_space<hbm>> -> memref<128x512xf32, #tpu.memory_space<hbm>>
      %dma_wait3A_57 = arith.constant 0 : i32
      %dma_wait3A_58 = tpu.memref_slice %arg4[%add3A_10, %dma_wait3A_57] : memref<17408x512xf32, #tpu.memory_space<hbm>> -> memref<128x512xf32, #tpu.memory_space<hbm>>
      tpu.wait_dma2 semaphore(%run_scoped3A : memref<!tpu.dma_semaphore, #tpu.memory_space<semaphore_mem>>) src(%arg6 : memref<128x512xf32, #tpu.memory_space<vmem>>) dst(%dma_wait3A_58 : memref<128x512xf32, #tpu.memory_space<hbm>>)
      tpu.yield
    }) : () -> ()
    %add3A_11 = arith.constant 128 : i32
    %add3A_12 = arith.addi %mul3A_2, %add3A_11 : i32
    "tpu.region"() ({
      %run_scoped3A = tpu.sem_alloc : memref<!tpu.dma_semaphore, #tpu.memory_space<semaphore_mem>>
      %dma_start3A_51 = tpu.memref_slice %arg3[%add3A_12] : memref<17408xi32, #tpu.memory_space<hbm>> -> memref<128xi32, #tpu.memory_space<hbm>>
      %dma_start3A_52 = tpu.memref_slice %arg3[%add3A_12] : memref<17408xi32, #tpu.memory_space<hbm>> -> memref<128xi32, #tpu.memory_space<hbm>>
      tpu.enqueue_dma source(%dma_start3A_52 : memref<128xi32, #tpu.memory_space<hbm>>) target(%arg5 : memref<128xi32, #tpu.memory_space<vmem>>) target_semaphore(%run_scoped3A : memref<!tpu.dma_semaphore, #tpu.memory_space<semaphore_mem>>)
      %dma_wait3A_53 = tpu.memref_slice %arg3[%add3A_12] : memref<17408xi32, #tpu.memory_space<hbm>> -> memref<128xi32, #tpu.memory_space<hbm>>
      %dma_wait3A_54 = tpu.memref_slice %arg3[%add3A_12] : memref<17408xi32, #tpu.memory_space<hbm>> -> memref<128xi32, #tpu.memory_space<hbm>>
      tpu.wait_dma2 semaphore(%run_scoped3A : memref<!tpu.dma_semaphore, #tpu.memory_space<semaphore_mem>>) src(%dma_wait3A_54 : memref<128xi32, #tpu.memory_space<hbm>>) dst(%arg5 : memref<128xi32, #tpu.memory_space<vmem>>)
      tpu.yield
    }) : () -> ()
    %dma_start3A_13 = arith.constant 0 : i32
    %dma_start3A_14 = arith.constant 0 : i32
    %dma_start3A_15 = tpu.memref_slice %arg2[%dma_start3A_13, %dma_start3A_14] : memref<2048x512xf32, #tpu.memory_space<hbm>> -> memref<2048x512xf32, #tpu.memory_space<hbm>>
    tpu.enqueue_indirect_dma source(%dma_start3A_15 : memref<2048x512xf32, #tpu.memory_space<hbm>>) target(%arg6 : memref<128x512xf32, #tpu.memory_space<vmem>>) offsets(%arg5 : memref<128xi32, #tpu.memory_space<vmem>>) semaphore(%arg9 : memref<!tpu.dma_semaphore, #tpu.memory_space<semaphore_mem>>)
    %dma_wait3A_16 = arith.constant 0 : i32
    %dma_wait3A_17 = arith.constant 0 : i32
    %dma_wait3A_18 = tpu.memref_slice %arg2[%dma_wait3A_16, %dma_wait3A_17] : memref<2048x512xf32, #tpu.memory_space<hbm>> -> memref<2048x512xf32, #tpu.memory_space<hbm>>
    tpu.wait_indirect_dma semaphore(%arg9 : memref<!tpu.dma_semaphore, #tpu.memory_space<semaphore_mem>>) src(%dma_wait3A_18 : memref<2048x512xf32, #tpu.memory_space<hbm>>) dst(%arg6 : memref<128x512xf32, #tpu.memory_space<vmem>>)
    %add3A_19 = arith.constant 128 : i32
    %add3A_20 = arith.addi %mul3A_2, %add3A_19 : i32
    "tpu.region"() ({
      %run_scoped3A = tpu.sem_alloc : memref<!tpu.dma_semaphore, #tpu.memory_space<semaphore_mem>>
      %dma_start3A_51 = arith.constant 0 : i32
      %dma_start3A_52 = tpu.memref_slice %arg4[%add3A_20, %dma_start3A_51] : memref<17408x512xf32, #tpu.memory_space<hbm>> -> memref<128x512xf32, #tpu.memory_space<hbm>>
      %dma_start3A_53 = arith.constant 0 : i32
      %dma_start3A_54 = tpu.memref_slice %arg4[%add3A_20, %dma_start3A_53] : memref<17408x512xf32, #tpu.memory_space<hbm>> -> memref<128x512xf32, #tpu.memory_space<hbm>>
      tpu.enqueue_dma source(%arg6 : memref<128x512xf32, #tpu.memory_space<vmem>>) target(%dma_start3A_54 : memref<128x512xf32, #tpu.memory_space<hbm>>) target_semaphore(%run_scoped3A : memref<!tpu.dma_semaphore, #tpu.memory_space<semaphore_mem>>)
      %dma_wait3A_55 = arith.constant 0 : i32
      %dma_wait3A_56 = tpu.memref_slice %arg4[%add3A_20, %dma_wait3A_55] : memref<17408x512xf32, #tpu.memory_space<hbm>> -> memref<128x512xf32, #tpu.memory_space<hbm>>
      %dma_wait3A_57 = arith.constant 0 : i32
      %dma_wait3A_58 = tpu.memref_slice %arg4[%add3A_20, %dma_wait3A_57] : memref<17408x512xf32, #tpu.memory_space<hbm>> -> memref<128x512xf32, #tpu.memory_space<hbm>>
      tpu.wait_dma2 semaphore(%run_scoped3A : memref<!tpu.dma_semaphore, #tpu.memory_space<semaphore_mem>>) src(%arg6 : memref<128x512xf32, #tpu.memory_space<vmem>>) dst(%dma_wait3A_58 : memref<128x512xf32, #tpu.memory_space<hbm>>)
      tpu.yield
    }) : () -> ()
    %add3A_21 = arith.constant 256 : i32
    %add3A_22 = arith.addi %mul3A_2, %add3A_21 : i32
    "tpu.region"() ({
      %run_scoped3A = tpu.sem_alloc : memref<!tpu.dma_semaphore, #tpu.memory_space<semaphore_mem>>
      %dma_start3A_51 = tpu.memref_slice %arg3[%add3A_22] : memref<17408xi32, #tpu.memory_space<hbm>> -> memref<128xi32, #tpu.memory_space<hbm>>
      %dma_start3A_52 = tpu.memref_slice %arg3[%add3A_22] : memref<17408xi32, #tpu.memory_space<hbm>> -> memref<128xi32, #tpu.memory_space<hbm>>
      tpu.enqueue_dma source(%dma_start3A_52 : memref<128xi32, #tpu.memory_space<hbm>>) target(%arg5 : memref<128xi32, #tpu.memory_space<vmem>>) target_semaphore(%run_scoped3A : memref<!tpu.dma_semaphore, #tpu.memory_space<semaphore_mem>>)
      %dma_wait3A_53 = tpu.memref_slice %arg3[%add3A_22] : memref<17408xi32, #tpu.memory_space<hbm>> -> memref<128xi32, #tpu.memory_space<hbm>>
      %dma_wait3A_54 = tpu.memref_slice %arg3[%add3A_22] : memref<17408xi32, #tpu.memory_space<hbm>> -> memref<128xi32, #tpu.memory_space<hbm>>
      tpu.wait_dma2 semaphore(%run_scoped3A : memref<!tpu.dma_semaphore, #tpu.memory_space<semaphore_mem>>) src(%dma_wait3A_54 : memref<128xi32, #tpu.memory_space<hbm>>) dst(%arg5 : memref<128xi32, #tpu.memory_space<vmem>>)
      tpu.yield
    }) : () -> ()
    %dma_start3A_23 = arith.constant 0 : i32
    %dma_start3A_24 = arith.constant 0 : i32
    %dma_start3A_25 = tpu.memref_slice %arg2[%dma_start3A_23, %dma_start3A_24] : memref<2048x512xf32, #tpu.memory_space<hbm>> -> memref<2048x512xf32, #tpu.memory_space<hbm>>
    tpu.enqueue_indirect_dma source(%dma_start3A_25 : memref<2048x512xf32, #tpu.memory_space<hbm>>) target(%arg6 : memref<128x512xf32, #tpu.memory_space<vmem>>) offsets(%arg5 : memref<128xi32, #tpu.memory_space<vmem>>) semaphore(%arg9 : memref<!tpu.dma_semaphore, #tpu.memory_space<semaphore_mem>>)
    %dma_wait3A_26 = arith.constant 0 : i32
    %dma_wait3A_27 = arith.constant 0 : i32
    %dma_wait3A_28 = tpu.memref_slice %arg2[%dma_wait3A_26, %dma_wait3A_27] : memref<2048x512xf32, #tpu.memory_space<hbm>> -> memref<2048x512xf32, #tpu.memory_space<hbm>>
    tpu.wait_indirect_dma semaphore(%arg9 : memref<!tpu.dma_semaphore, #tpu.memory_space<semaphore_mem>>) src(%dma_wait3A_28 : memref<2048x512xf32, #tpu.memory_space<hbm>>) dst(%arg6 : memref<128x512xf32, #tpu.memory_space<vmem>>)
    %add3A_29 = arith.constant 256 : i32
    %add3A_30 = arith.addi %mul3A_2, %add3A_29 : i32
    "tpu.region"() ({
      %run_scoped3A = tpu.sem_alloc : memref<!tpu.dma_semaphore, #tpu.memory_space<semaphore_mem>>
      %dma_start3A_51 = arith.constant 0 : i32
      %dma_start3A_52 = tpu.memref_slice %arg4[%add3A_30, %dma_start3A_51] : memref<17408x512xf32, #tpu.memory_space<hbm>> -> memref<128x512xf32, #tpu.memory_space<hbm>>
      %dma_start3A_53 = arith.constant 0 : i32
      %dma_start3A_54 = tpu.memref_slice %arg4[%add3A_30, %dma_start3A_53] : memref<17408x512xf32, #tpu.memory_space<hbm>> -> memref<128x512xf32, #tpu.memory_space<hbm>>
      tpu.enqueue_dma source(%arg6 : memref<128x512xf32, #tpu.memory_space<vmem>>) target(%dma_start3A_54 : memref<128x512xf32, #tpu.memory_space<hbm>>) target_semaphore(%run_scoped3A : memref<!tpu.dma_semaphore, #tpu.memory_space<semaphore_mem>>)
      %dma_wait3A_55 = arith.constant 0 : i32
      %dma_wait3A_56 = tpu.memref_slice %arg4[%add3A_30, %dma_wait3A_55] : memref<17408x512xf32, #tpu.memory_space<hbm>> -> memref<128x512xf32, #tpu.memory_space<hbm>>
      %dma_wait3A_57 = arith.constant 0 : i32
      %dma_wait3A_58 = tpu.memref_slice %arg4[%add3A_30, %dma_wait3A_57] : memref<17408x512xf32, #tpu.memory_space<hbm>> -> memref<128x512xf32, #tpu.memory_space<hbm>>
      tpu.wait_dma2 semaphore(%run_scoped3A : memref<!tpu.dma_semaphore, #tpu.memory_space<semaphore_mem>>) src(%arg6 : memref<128x512xf32, #tpu.memory_space<vmem>>) dst(%dma_wait3A_58 : memref<128x512xf32, #tpu.memory_space<hbm>>)
      tpu.yield
    }) : () -> ()
    %add3A_31 = arith.constant 384 : i32
    %add3A_32 = arith.addi %mul3A_2, %add3A_31 : i32
    "tpu.region"() ({
      %run_scoped3A = tpu.sem_alloc : memref<!tpu.dma_semaphore, #tpu.memory_space<semaphore_mem>>
      %dma_start3A_51 = tpu.memref_slice %arg3[%add3A_32] : memref<17408xi32, #tpu.memory_space<hbm>> -> memref<128xi32, #tpu.memory_space<hbm>>
      %dma_start3A_52 = tpu.memref_slice %arg3[%add3A_32] : memref<17408xi32, #tpu.memory_space<hbm>> -> memref<128xi32, #tpu.memory_space<hbm>>
      tpu.enqueue_dma source(%dma_start3A_52 : memref<128xi32, #tpu.memory_space<hbm>>) target(%arg5 : memref<128xi32, #tpu.memory_space<vmem>>) target_semaphore(%run_scoped3A : memref<!tpu.dma_semaphore, #tpu.memory_space<semaphore_mem>>)
      %dma_wait3A_53 = tpu.memref_slice %arg3[%add3A_32] : memref<17408xi32, #tpu.memory_space<hbm>> -> memref<128xi32, #tpu.memory_space<hbm>>
      %dma_wait3A_54 = tpu.memref_slice %arg3[%add3A_32] : memref<17408xi32, #tpu.memory_space<hbm>> -> memref<128xi32, #tpu.memory_space<hbm>>
      tpu.wait_dma2 semaphore(%run_scoped3A : memref<!tpu.dma_semaphore, #tpu.memory_space<semaphore_mem>>) src(%dma_wait3A_54 : memref<128xi32, #tpu.memory_space<hbm>>) dst(%arg5 : memref<128xi32, #tpu.memory_space<vmem>>)
      tpu.yield
    }) : () -> ()
    %dma_start3A_33 = arith.constant 0 : i32
    %dma_start3A_34 = arith.constant 0 : i32
    %dma_start3A_35 = tpu.memref_slice %arg2[%dma_start3A_33, %dma_start3A_34] : memref<2048x512xf32, #tpu.memory_space<hbm>> -> memref<2048x512xf32, #tpu.memory_space<hbm>>
    tpu.enqueue_indirect_dma source(%dma_start3A_35 : memref<2048x512xf32, #tpu.memory_space<hbm>>) target(%arg6 : memref<128x512xf32, #tpu.memory_space<vmem>>) offsets(%arg5 : memref<128xi32, #tpu.memory_space<vmem>>) semaphore(%arg9 : memref<!tpu.dma_semaphore, #tpu.memory_space<semaphore_mem>>)
    %dma_wait3A_36 = arith.constant 0 : i32
    %dma_wait3A_37 = arith.constant 0 : i32
    %dma_wait3A_38 = tpu.memref_slice %arg2[%dma_wait3A_36, %dma_wait3A_37] : memref<2048x512xf32, #tpu.memory_space<hbm>> -> memref<2048x512xf32, #tpu.memory_space<hbm>>
    tpu.wait_indirect_dma semaphore(%arg9 : memref<!tpu.dma_semaphore, #tpu.memory_space<semaphore_mem>>) src(%dma_wait3A_38 : memref<2048x512xf32, #tpu.memory_space<hbm>>) dst(%arg6 : memref<128x512xf32, #tpu.memory_space<vmem>>)
    %add3A_39 = arith.constant 384 : i32
    %add3A_40 = arith.addi %mul3A_2, %add3A_39 : i32
    "tpu.region"() ({
      %run_scoped3A = tpu.sem_alloc : memref<!tpu.dma_semaphore, #tpu.memory_space<semaphore_mem>>
      %dma_start3A_51 = arith.constant 0 : i32
      %dma_start3A_52 = tpu.memref_slice %arg4[%add3A_40, %dma_start3A_51] : memref<17408x512xf32, #tpu.memory_space<hbm>> -> memref<128x512xf32, #tpu.memory_space<hbm>>
      %dma_start3A_53 = arith.constant 0 : i32
      %dma_start3A_54 = tpu.memref_slice %arg4[%add3A_40, %dma_start3A_53] : memref<17408x512xf32, #tpu.memory_space<hbm>> -> memref<128x512xf32, #tpu.memory_space<hbm>>
      tpu.enqueue_dma source(%arg6 : memref<128x512xf32, #tpu.memory_space<vmem>>) target(%dma_start3A_54 : memref<128x512xf32, #tpu.memory_space<hbm>>) target_semaphore(%run_scoped3A : memref<!tpu.dma_semaphore, #tpu.memory_space<semaphore_mem>>)
      %dma_wait3A_55 = arith.constant 0 : i32
      %dma_wait3A_56 = tpu.memref_slice %arg4[%add3A_40, %dma_wait3A_55] : memref<17408x512xf32, #tpu.memory_space<hbm>> -> memref<128x512xf32, #tpu.memory_space<hbm>>
      %dma_wait3A_57 = arith.constant 0 : i32
      %dma_wait3A_58 = tpu.memref_slice %arg4[%add3A_40, %dma_wait3A_57] : memref<17408x512xf32, #tpu.memory_space<hbm>> -> memref<128x512xf32, #tpu.memory_space<hbm>>
      tpu.wait_dma2 semaphore(%run_scoped3A : memref<!tpu.dma_semaphore, #tpu.memory_space<semaphore_mem>>) src(%arg6 : memref<128x512xf32, #tpu.memory_space<vmem>>) dst(%dma_wait3A_58 : memref<128x512xf32, #tpu.memory_space<hbm>>)
      tpu.yield
    }) : () -> ()
    %add3A_41 = arith.constant 512 : i32
    %add3A_42 = arith.addi %mul3A_2, %add3A_41 : i32
    "tpu.region"() ({
      %run_scoped3A = tpu.sem_alloc : memref<!tpu.dma_semaphore, #tpu.memory_space<semaphore_mem>>
      %dma_start3A_51 = tpu.memref_slice %arg3[%add3A_42] : memref<17408xi32, #tpu.memory_space<hbm>> -> memref<32xi32, #tpu.memory_space<hbm>>
      %dma_start3A_52 = tpu.memref_slice %arg3[%add3A_42] : memref<17408xi32, #tpu.memory_space<hbm>> -> memref<32xi32, #tpu.memory_space<hbm>>
      tpu.enqueue_dma source(%dma_start3A_52 : memref<32xi32, #tpu.memory_space<hbm>>) target(%arg7 : memref<32xi32, #tpu.memory_space<vmem>>) target_semaphore(%run_scoped3A : memref<!tpu.dma_semaphore, #tpu.memory_space<semaphore_mem>>)
      %dma_wait3A_53 = tpu.memref_slice %arg3[%add3A_42] : memref<17408xi32, #tpu.memory_space<hbm>> -> memref<32xi32, #tpu.memory_space<hbm>>
      %dma_wait3A_54 = tpu.memref_slice %arg3[%add3A_42] : memref<17408xi32, #tpu.memory_space<hbm>> -> memref<32xi32, #tpu.memory_space<hbm>>
      tpu.wait_dma2 semaphore(%run_scoped3A : memref<!tpu.dma_semaphore, #tpu.memory_space<semaphore_mem>>) src(%dma_wait3A_54 : memref<32xi32, #tpu.memory_space<hbm>>) dst(%arg7 : memref<32xi32, #tpu.memory_space<vmem>>)
      tpu.yield
    }) : () -> ()
    %dma_start3A_43 = arith.constant 0 : i32
    %dma_start3A_44 = arith.constant 0 : i32
    %dma_start3A_45 = tpu.memref_slice %arg2[%dma_start3A_43, %dma_start3A_44] : memref<2048x512xf32, #tpu.memory_space<hbm>> -> memref<2048x512xf32, #tpu.memory_space<hbm>>
    tpu.enqueue_indirect_dma source(%dma_start3A_45 : memref<2048x512xf32, #tpu.memory_space<hbm>>) target(%arg8 : memref<32x512xf32, #tpu.memory_space<vmem>>) offsets(%arg7 : memref<32xi32, #tpu.memory_space<vmem>>) semaphore(%arg9 : memref<!tpu.dma_semaphore, #tpu.memory_space<semaphore_mem>>)
    %dma_wait3A_46 = arith.constant 0 : i32
    %dma_wait3A_47 = arith.constant 0 : i32
    %dma_wait3A_48 = tpu.memref_slice %arg2[%dma_wait3A_46, %dma_wait3A_47] : memref<2048x512xf32, #tpu.memory_space<hbm>> -> memref<2048x512xf32, #tpu.memory_space<hbm>>
    tpu.wait_indirect_dma semaphore(%arg9 : memref<!tpu.dma_semaphore, #tpu.memory_space<semaphore_mem>>) src(%dma_wait3A_48 : memref<2048x512xf32, #tpu.memory_space<hbm>>) dst(%arg8 : memref<32x512xf32, #tpu.memory_space<vmem>>)
    %add3A_49 = arith.constant 512 : i32
    %add3A_50 = arith.addi %mul3A_2, %add3A_49 : i32
    "tpu.region"() ({
      %run_scoped3A = tpu.sem_alloc : memref<!tpu.dma_semaphore, #tpu.memory_space<semaphore_mem>>
      %dma_start3A_51 = arith.constant 0 : i32
      %dma_start3A_52 = tpu.memref_slice %arg4[%add3A_50, %dma_start3A_51] : memref<17408x512xf32, #tpu.memory_space<hbm>> -> memref<32x512xf32, #tpu.memory_space<hbm>>
      %dma_start3A_53 = arith.constant 0 : i32
      %dma_start3A_54 = tpu.memref_slice %arg4[%add3A_50, %dma_start3A_53] : memref<17408x512xf32, #tpu.memory_space<hbm>> -> memref<32x512xf32, #tpu.memory_space<hbm>>
      tpu.enqueue_dma source(%arg8 : memref<32x512xf32, #tpu.memory_space<vmem>>) target(%dma_start3A_54 : memref<32x512xf32, #tpu.memory_space<hbm>>) target_semaphore(%run_scoped3A : memref<!tpu.dma_semaphore, #tpu.memory_space<semaphore_mem>>)
      %dma_wait3A_55 = arith.constant 0 : i32
      %dma_wait3A_56 = tpu.memref_slice %arg4[%add3A_50, %dma_wait3A_55] : memref<17408x512xf32, #tpu.memory_space<hbm>> -> memref<32x512xf32, #tpu.memory_space<hbm>>
      %dma_wait3A_57 = arith.constant 0 : i32
      %dma_wait3A_58 = tpu.memref_slice %arg4[%add3A_50, %dma_wait3A_57] : memref<17408x512xf32, #tpu.memory_space<hbm>> -> memref<32x512xf32, #tpu.memory_space<hbm>>
      tpu.wait_dma2 semaphore(%run_scoped3A : memref<!tpu.dma_semaphore, #tpu.memory_space<semaphore_mem>>) src(%arg8 : memref<32x512xf32, #tpu.memory_space<vmem>>) dst(%dma_wait3A_58 : memref<32x512xf32, #tpu.memory_space<hbm>>)
      tpu.yield
    }) : () -> ()
    return
  }
}

module attributes {stable_mosaic.version = 14 : i64} {
  func.func @_vq_body(%arg0: i32, %arg1: memref<1024x512xf32, #tpu.memory_space<vmem>>, %arg2: memref<512x2048xf32, #tpu.memory_space<vmem>>, %arg3: memref<1x2048xf32, #tpu.memory_space<vmem>>, %arg4: memref<1024xi32, #tpu.memory_space<vmem>>) attributes {dimension_semantics = [#tpu.dimension_semantics<arbitrary>], iteration_bounds = array<i64: 17>, scalar_prefetch = 0 : i64, scratch_operands = 0 : i64, tpu.core_type = #tpu.core_type<tc>, window_params = [{transform_indices = @transform_0, window_bounds = array<i64: 1024, 512>}, {pipeline_mode = #tpu.pipeline_mode<synchronous>, transform_indices = @transform_1, window_bounds = array<i64: 512, 2048>}, {pipeline_mode = #tpu.pipeline_mode<synchronous>, transform_indices = @transform_2, window_bounds = array<i64: 1, 2048>}, {transform_indices = @transform_3, window_bounds = array<i64: 1024>}]} {
    %broadcast_in_dim3A = arith.constant 0x7F800000 : f32
    %broadcast_in_dim3A_0 = vector.broadcast %broadcast_in_dim3A : f32 to vector<1024xf32>
    %broadcast_in_dim3A_1 = arith.constant 0 : i32
    %broadcast_in_dim3A_2 = vector.broadcast %broadcast_in_dim3A_1 : i32 to vector<1024xi32>
    %get3A = arith.constant 0 : index
    %get3A_3 = arith.constant 0 : index
    %get3A_4 = vector.load %arg2[%get3A, %get3A_3] : memref<512x2048xf32, #tpu.memory_space<vmem>>, vector<512x512xf32>
    %get3A_5 = arith.constant 0 : index
    %get3A_6 = arith.constant 0 : index
    %get3A_7 = vector.load %arg3[%get3A_5, %get3A_6] : memref<1x2048xf32, #tpu.memory_space<vmem>>, vector<1x512xf32>
    %get3A_8 = vector.shape_cast %get3A_7 : vector<1x512xf32> to vector<512xf32>
    %broadcast_in_dim3A_9 = vector.shape_cast %get3A_8 : vector<512xf32> to vector<1x512xf32>
    %get3A_10 = arith.constant 0 : index
    %get3A_11 = arith.constant 0 : index
    %get3A_12 = vector.load %arg1[%get3A_10, %get3A_11] : memref<1024x512xf32, #tpu.memory_space<vmem>>, vector<1024x512xf32>
    %dot_general3A = arith.constant dense<0.000000e+00> : vector<1024x512xf32>
    %dot_general3A_13 = tpu.matmul %get3A_12, %get3A_4, %dot_general3A {dimension_numbers = #tpu.dot_dimension_numbers<[1], [0], [0], [1], [0, 0, 1, 1], [], []>, transpose_lhs_hint = false} : vector<1024x512xf32>, vector<512x512xf32>, vector<1024x512xf32> -> vector<1024x512xf32>
    %mul3A = arith.constant 2.000000e+00 : f32
    %mul3A_14 = vector.broadcast %mul3A : f32 to vector<1024x512xf32>
    %mul3A_15 = arith.mulf %mul3A_14, %dot_general3A_13 : vector<1024x512xf32>
    %sub3A = vector.broadcast %broadcast_in_dim3A_9 : vector<1x512xf32> to vector<1024x512xf32>
    %sub3A_16 = arith.subf %sub3A, %mul3A_15 : vector<1024x512xf32>
    %argmin3A = tpu.reduce_index %sub3A_16 {axis = 1 : i32, kind = #tpu.reduction_kind<arg_min>} : vector<1024x512xf32> -> vector<1024xi32>
    %reduce_min3A = arith.constant dense<0x7F800000> : vector<1024xf32>
    %reduce_min3A_17 = vector.multi_reduction <minimumf>, %sub3A_16, %reduce_min3A [1] : vector<1024x512xf32> to vector<1024xf32>
    %lt3A = arith.cmpf olt, %reduce_min3A_17, %broadcast_in_dim3A_0 : vector<1024xf32>
    %add3A = arith.constant 0 : i32
    %add3A_18 = vector.broadcast %add3A : i32 to vector<1024xi32>
    %add3A_19 = arith.addi %argmin3A, %add3A_18 : vector<1024xi32>
    %select_n3A = arith.select %lt3A, %add3A_19, %broadcast_in_dim3A_2 : vector<1024xi1>, vector<1024xi32>
    %select_n3A_20 = arith.select %lt3A, %reduce_min3A_17, %broadcast_in_dim3A_0 : vector<1024xi1>, vector<1024xf32>
    %get3A_21 = arith.constant 0 : index
    %get3A_22 = arith.constant 512 : index
    %get3A_23 = vector.load %arg2[%get3A_21, %get3A_22] : memref<512x2048xf32, #tpu.memory_space<vmem>>, vector<512x512xf32>
    %get3A_24 = arith.constant 0 : index
    %get3A_25 = arith.constant 512 : index
    %get3A_26 = vector.load %arg3[%get3A_24, %get3A_25] : memref<1x2048xf32, #tpu.memory_space<vmem>>, vector<1x512xf32>
    %get3A_27 = vector.shape_cast %get3A_26 : vector<1x512xf32> to vector<512xf32>
    %broadcast_in_dim3A_28 = vector.shape_cast %get3A_27 : vector<512xf32> to vector<1x512xf32>
    %get3A_29 = arith.constant 0 : index
    %get3A_30 = arith.constant 0 : index
    %get3A_31 = vector.load %arg1[%get3A_29, %get3A_30] : memref<1024x512xf32, #tpu.memory_space<vmem>>, vector<1024x512xf32>
    %dot_general3A_32 = arith.constant dense<0.000000e+00> : vector<1024x512xf32>
    %dot_general3A_33 = tpu.matmul %get3A_31, %get3A_23, %dot_general3A_32 {dimension_numbers = #tpu.dot_dimension_numbers<[1], [0], [0], [1], [0, 0, 1, 1], [], []>, transpose_lhs_hint = false} : vector<1024x512xf32>, vector<512x512xf32>, vector<1024x512xf32> -> vector<1024x512xf32>
    %mul3A_34 = arith.constant 2.000000e+00 : f32
    %mul3A_35 = vector.broadcast %mul3A_34 : f32 to vector<1024x512xf32>
    %mul3A_36 = arith.mulf %mul3A_35, %dot_general3A_33 : vector<1024x512xf32>
    %sub3A_37 = vector.broadcast %broadcast_in_dim3A_28 : vector<1x512xf32> to vector<1024x512xf32>
    %sub3A_38 = arith.subf %sub3A_37, %mul3A_36 : vector<1024x512xf32>
    %argmin3A_39 = tpu.reduce_index %sub3A_38 {axis = 1 : i32, kind = #tpu.reduction_kind<arg_min>} : vector<1024x512xf32> -> vector<1024xi32>
    %reduce_min3A_40 = arith.constant dense<0x7F800000> : vector<1024xf32>
    %reduce_min3A_41 = vector.multi_reduction <minimumf>, %sub3A_38, %reduce_min3A_40 [1] : vector<1024x512xf32> to vector<1024xf32>
    %lt3A_42 = arith.cmpf olt, %reduce_min3A_41, %select_n3A_20 : vector<1024xf32>
    %add3A_43 = arith.constant 512 : i32
    %add3A_44 = vector.broadcast %add3A_43 : i32 to vector<1024xi32>
    %add3A_45 = arith.addi %argmin3A_39, %add3A_44 : vector<1024xi32>
    %select_n3A_46 = arith.select %lt3A_42, %add3A_45, %select_n3A : vector<1024xi1>, vector<1024xi32>
    %select_n3A_47 = arith.select %lt3A_42, %reduce_min3A_41, %select_n3A_20 : vector<1024xi1>, vector<1024xf32>
    %get3A_48 = arith.constant 0 : index
    %get3A_49 = arith.constant 1024 : index
    %get3A_50 = vector.load %arg2[%get3A_48, %get3A_49] : memref<512x2048xf32, #tpu.memory_space<vmem>>, vector<512x512xf32>
    %get3A_51 = arith.constant 0 : index
    %get3A_52 = arith.constant 1024 : index
    %get3A_53 = vector.load %arg3[%get3A_51, %get3A_52] : memref<1x2048xf32, #tpu.memory_space<vmem>>, vector<1x512xf32>
    %get3A_54 = vector.shape_cast %get3A_53 : vector<1x512xf32> to vector<512xf32>
    %broadcast_in_dim3A_55 = vector.shape_cast %get3A_54 : vector<512xf32> to vector<1x512xf32>
    %get3A_56 = arith.constant 0 : index
    %get3A_57 = arith.constant 0 : index
    %get3A_58 = vector.load %arg1[%get3A_56, %get3A_57] : memref<1024x512xf32, #tpu.memory_space<vmem>>, vector<1024x512xf32>
    %dot_general3A_59 = arith.constant dense<0.000000e+00> : vector<1024x512xf32>
    %dot_general3A_60 = tpu.matmul %get3A_58, %get3A_50, %dot_general3A_59 {dimension_numbers = #tpu.dot_dimension_numbers<[1], [0], [0], [1], [0, 0, 1, 1], [], []>, transpose_lhs_hint = false} : vector<1024x512xf32>, vector<512x512xf32>, vector<1024x512xf32> -> vector<1024x512xf32>
    %mul3A_61 = arith.constant 2.000000e+00 : f32
    %mul3A_62 = vector.broadcast %mul3A_61 : f32 to vector<1024x512xf32>
    %mul3A_63 = arith.mulf %mul3A_62, %dot_general3A_60 : vector<1024x512xf32>
    %sub3A_64 = vector.broadcast %broadcast_in_dim3A_55 : vector<1x512xf32> to vector<1024x512xf32>
    %sub3A_65 = arith.subf %sub3A_64, %mul3A_63 : vector<1024x512xf32>
    %argmin3A_66 = tpu.reduce_index %sub3A_65 {axis = 1 : i32, kind = #tpu.reduction_kind<arg_min>} : vector<1024x512xf32> -> vector<1024xi32>
    %reduce_min3A_67 = arith.constant dense<0x7F800000> : vector<1024xf32>
    %reduce_min3A_68 = vector.multi_reduction <minimumf>, %sub3A_65, %reduce_min3A_67 [1] : vector<1024x512xf32> to vector<1024xf32>
    %lt3A_69 = arith.cmpf olt, %reduce_min3A_68, %select_n3A_47 : vector<1024xf32>
    %add3A_70 = arith.constant 1024 : i32
    %add3A_71 = vector.broadcast %add3A_70 : i32 to vector<1024xi32>
    %add3A_72 = arith.addi %argmin3A_66, %add3A_71 : vector<1024xi32>
    %select_n3A_73 = arith.select %lt3A_69, %add3A_72, %select_n3A_46 : vector<1024xi1>, vector<1024xi32>
    %select_n3A_74 = arith.select %lt3A_69, %reduce_min3A_68, %select_n3A_47 : vector<1024xi1>, vector<1024xf32>
    %get3A_75 = arith.constant 0 : index
    %get3A_76 = arith.constant 1536 : index
    %get3A_77 = vector.load %arg2[%get3A_75, %get3A_76] : memref<512x2048xf32, #tpu.memory_space<vmem>>, vector<512x512xf32>
    %get3A_78 = arith.constant 0 : index
    %get3A_79 = arith.constant 1536 : index
    %get3A_80 = vector.load %arg3[%get3A_78, %get3A_79] : memref<1x2048xf32, #tpu.memory_space<vmem>>, vector<1x512xf32>
    %get3A_81 = vector.shape_cast %get3A_80 : vector<1x512xf32> to vector<512xf32>
    %broadcast_in_dim3A_82 = vector.shape_cast %get3A_81 : vector<512xf32> to vector<1x512xf32>
    %get3A_83 = arith.constant 0 : index
    %get3A_84 = arith.constant 0 : index
    %get3A_85 = vector.load %arg1[%get3A_83, %get3A_84] : memref<1024x512xf32, #tpu.memory_space<vmem>>, vector<1024x512xf32>
    %dot_general3A_86 = arith.constant dense<0.000000e+00> : vector<1024x512xf32>
    %dot_general3A_87 = tpu.matmul %get3A_85, %get3A_77, %dot_general3A_86 {dimension_numbers = #tpu.dot_dimension_numbers<[1], [0], [0], [1], [0, 0, 1, 1], [], []>, transpose_lhs_hint = false} : vector<1024x512xf32>, vector<512x512xf32>, vector<1024x512xf32> -> vector<1024x512xf32>
    %mul3A_88 = arith.constant 2.000000e+00 : f32
    %mul3A_89 = vector.broadcast %mul3A_88 : f32 to vector<1024x512xf32>
    %mul3A_90 = arith.mulf %mul3A_89, %dot_general3A_87 : vector<1024x512xf32>
    %sub3A_91 = vector.broadcast %broadcast_in_dim3A_82 : vector<1x512xf32> to vector<1024x512xf32>
    %sub3A_92 = arith.subf %sub3A_91, %mul3A_90 : vector<1024x512xf32>
    %argmin3A_93 = tpu.reduce_index %sub3A_92 {axis = 1 : i32, kind = #tpu.reduction_kind<arg_min>} : vector<1024x512xf32> -> vector<1024xi32>
    %reduce_min3A_94 = arith.constant dense<0x7F800000> : vector<1024xf32>
    %reduce_min3A_95 = vector.multi_reduction <minimumf>, %sub3A_92, %reduce_min3A_94 [1] : vector<1024x512xf32> to vector<1024xf32>
    %lt3A_96 = arith.cmpf olt, %reduce_min3A_95, %select_n3A_74 : vector<1024xf32>
    %add3A_97 = arith.constant 1536 : i32
    %add3A_98 = vector.broadcast %add3A_97 : i32 to vector<1024xi32>
    %add3A_99 = arith.addi %argmin3A_93, %add3A_98 : vector<1024xi32>
    %select_n3A_100 = arith.select %lt3A_96, %add3A_99, %select_n3A_73 : vector<1024xi1>, vector<1024xi32>
    %swap3A = arith.constant 0 : index
    %swap3A_101 = vector.load %arg4[%swap3A] : memref<1024xi32, #tpu.memory_space<vmem>>, vector<1024xi32>
    tpu.vector_store %arg4[%swap3A], %select_n3A_100 {strides = array<i32>} : memref<1024xi32, #tpu.memory_space<vmem>>, vector<1024xi32>,
    return
  }
  func.func @transform_0(%arg0: i32) -> (i32, i32) {
    %c0_i32 = arith.constant 0 : i32
    %c0_i32_0 = arith.constant 0 : i32
    return %arg0, %c0_i32 : i32, i32
  }
  func.func @transform_1(%arg0: i32) -> (i32, i32) {
    %c0_i32 = arith.constant 0 : i32
    %c0_i32_0 = arith.constant 0 : i32
    %c0_i32_1 = arith.constant 0 : i32
    return %c0_i32, %c0_i32_0 : i32, i32
  }
  func.func @transform_2(%arg0: i32) -> (i32, i32) {
    %c0_i32 = arith.constant 0 : i32
    %c0_i32_0 = arith.constant 0 : i32
    %c0_i32_1 = arith.constant 0 : i32
    return %c0_i32, %c0_i32_0 : i32, i32
  }
  func.func @transform_3(%arg0: i32) -> i32 {
    %c0_i32 = arith.constant 0 : i32
    return %arg0 : i32
  }
}

module attributes {stable_mosaic.version = 14 : i64} {
  func.func @_dec_body(%arg0: i32, %arg1: memref<34x128x512xf32, #tpu.memory_space<vmem>>, %arg2: memref<17x34xf32, #tpu.memory_space<vmem>>, %arg3: memref<17x1xf32, #tpu.memory_space<vmem>>, %arg4: memref<512x32xf32, #tpu.memory_space<vmem>>, %arg5: memref<1x32xf32, #tpu.memory_space<vmem>>, %arg6: memref<1x32xf32, #tpu.memory_space<vmem>>, %arg7: memref<1x32xf32, #tpu.memory_space<vmem>>, %arg8: memref<1x32xf32, #tpu.memory_space<vmem>>, %arg9: memref<1x32xf32, #tpu.memory_space<vmem>>, %arg10: memref<64x17xf32, #tpu.memory_space<vmem>>, %arg11: memref<64x1xf32, #tpu.memory_space<vmem>>, %arg12: memref<17x64xf32, #tpu.memory_space<vmem>>, %arg13: memref<17x1xf32, #tpu.memory_space<vmem>>, %arg14: memref<32x64xf32, #tpu.memory_space<vmem>>, %arg15: memref<1x64xf32, #tpu.memory_space<vmem>>, %arg16: memref<64x32xf32, #tpu.memory_space<vmem>>, %arg17: memref<1x32xf32, #tpu.memory_space<vmem>>, %arg18: memref<1x32xf32, #tpu.memory_space<vmem>>, %arg19: memref<1x32xf32, #tpu.memory_space<vmem>>, %arg20: memref<32x2xf32, #tpu.memory_space<vmem>>, %arg21: memref<1x2xf32, #tpu.memory_space<vmem>>, %arg22: memref<17x128x2xf32, #tpu.memory_space<vmem>>) attributes {dimension_semantics = [#tpu.dimension_semantics<arbitrary>], iteration_bounds = array<i64: 4>, scalar_prefetch = 0 : i64, scratch_operands = 0 : i64, tpu.core_type = #tpu.core_type<tc>, window_params = [{transform_indices = @transform_0, window_bounds = array<i64: 34, 128, 512>}, {pipeline_mode = #tpu.pipeline_mode<synchronous>, transform_indices = @transform_1, window_bounds = array<i64: 17, 34>}, {pipeline_mode = #tpu.pipeline_mode<synchronous>, transform_indices = @transform_2, window_bounds = array<i64: 17, 1>}, {pipeline_mode = #tpu.pipeline_mode<synchronous>, transform_indices = @transform_3, window_bounds = array<i64: 512, 32>}, {pipeline_mode = #tpu.pipeline_mode<synchronous>, transform_indices = @transform_4, window_bounds = array<i64: 1, 32>}, {pipeline_mode = #tpu.pipeline_mode<synchronous>, transform_indices = @transform_5, window_bounds = array<i64: 1, 32>}, {pipeline_mode = #tpu.pipeline_mode<synchronous>, transform_indices = @transform_6, window_bounds = array<i64: 1, 32>}, {pipeline_mode = #tpu.pipeline_mode<synchronous>, transform_indices = @transform_7, window_bounds = array<i64: 1, 32>}, {pipeline_mode = #tpu.pipeline_mode<synchronous>, transform_indices = @transform_8, window_bounds = array<i64: 1, 32>}, {pipeline_mode = #tpu.pipeline_mode<synchronous>, transform_indices = @transform_9, window_bounds = array<i64: 64, 17>}, {pipeline_mode = #tpu.pipeline_mode<synchronous>, transform_indices = @transform_10, window_bounds = array<i64: 64, 1>}, {pipeline_mode = #tpu.pipeline_mode<synchronous>, transform_indices = @transform_11, window_bounds = array<i64: 17, 64>}, {pipeline_mode = #tpu.pipeline_mode<synchronous>, transform_indices = @transform_12, window_bounds = array<i64: 17, 1>}, {pipeline_mode = #tpu.pipeline_mode<synchronous>, transform_indices = @transform_13, window_bounds = array<i64: 32, 64>}, {pipeline_mode = #tpu.pipeline_mode<synchronous>, transform_indices = @transform_14, window_bounds = array<i64: 1, 64>}, {pipeline_mode = #tpu.pipeline_mode<synchronous>, transform_indices = @transform_15, window_bounds = array<i64: 64, 32>}, {pipeline_mode = #tpu.pipeline_mode<synchronous>, transform_indices = @transform_16, window_bounds = array<i64: 1, 32>}, {pipeline_mode = #tpu.pipeline_mode<synchronous>, transform_indices = @transform_17, window_bounds = array<i64: 1, 32>}, {pipeline_mode = #tpu.pipeline_mode<synchronous>, transform_indices = @transform_18, window_bounds = array<i64: 1, 32>}, {pipeline_mode = #tpu.pipeline_mode<synchronous>, transform_indices = @transform_19, window_bounds = array<i64: 32, 2>}, {pipeline_mode = #tpu.pipeline_mode<synchronous>, transform_indices = @transform_20, window_bounds = array<i64: 1, 2>}, {transform_indices = @transform_21, window_bounds = array<i64: 17, 128, 2>}]} {
    %get3A = arith.constant 0 : index
    %get3A_0 = arith.constant 0 : index
    %get3A_1 = vector.load %arg2[%get3A, %get3A_0] : memref<17x34xf32, #tpu.memory_space<vmem>>, vector<17x34xf32>
    %get3A_2 = arith.constant 0 : index
    %get3A_3 = arith.constant 0 : index
    %get3A_4 = arith.constant 0 : index
    %get3A_5 = vector.load %arg1[%get3A_2, %get3A_3, %get3A_4] : memref<34x128x512xf32, #tpu.memory_space<vmem>>, vector<34x128x512xf32>
    %reshape3A = vector.shape_cast %get3A_5 : vector<34x128x512xf32> to vector<34x65536xf32>
    %dot_general3A = arith.constant dense<0.000000e+00> : vector<17x65536xf32>
    %dot_general3A_6 = tpu.matmul %get3A_1, %reshape3A, %dot_general3A {dimension_numbers = #tpu.dot_dimension_numbers<[1], [0], [0], [1], [0, 0, 1, 1], [], []>, transpose_lhs_hint = false} : vector<17x34xf32>, vector<34x65536xf32>, vector<17x65536xf32> -> vector<17x65536xf32>
    %get3A_7 = arith.constant 0 : index
    %get3A_8 = arith.constant 0 : index
    %get3A_9 = vector.load %arg3[%get3A_7, %get3A_8] : memref<17x1xf32, #tpu.memory_space<vmem>>, vector<17x1xf32>
    %add3A = vector.broadcast %get3A_9 : vector<17x1xf32> to vector<17x65536xf32>
    %add3A_10 = arith.addf %dot_general3A_6, %add3A : vector<17x65536xf32>
    %reshape3A_11 = vector.shape_cast %add3A_10 : vector<17x65536xf32> to vector<17x128x512xf32>
    %reshape3A_12 = vector.shape_cast %reshape3A_11 : vector<17x128x512xf32> to vector<2176x512xf32>
    %get3A_13 = arith.constant 0 : index
    %get3A_14 = arith.constant 0 : index
    %get3A_15 = vector.load %arg4[%get3A_13, %get3A_14] : memref<512x32xf32, #tpu.memory_space<vmem>>, vector<512x32xf32>
    %dot_general3A_16 = arith.constant dense<0.000000e+00> : vector<2176x32xf32>
    %dot_general3A_17 = tpu.matmul %reshape3A_12, %get3A_15, %dot_general3A_16 {dimension_numbers = #tpu.dot_dimension_numbers<[1], [0], [0], [1], [0, 0, 1, 1], [], []>, transpose_lhs_hint = false} : vector<2176x512xf32>, vector<512x32xf32>, vector<2176x32xf32> -> vector<2176x32xf32>
    %get3A_18 = arith.constant 0 : index
    %get3A_19 = arith.constant 0 : index
    %get3A_20 = vector.load %arg5[%get3A_18, %get3A_19] : memref<1x32xf32, #tpu.memory_space<vmem>>, vector<1x32xf32>
    %get3A_21 = vector.shape_cast %get3A_20 : vector<1x32xf32> to vector<32xf32>
    %broadcast_in_dim3A = vector.shape_cast %get3A_21 : vector<32xf32> to vector<1x32xf32>
    %add3A_22 = vector.broadcast %broadcast_in_dim3A : vector<1x32xf32> to vector<2176x32xf32>
    %add3A_23 = arith.addf %dot_general3A_17, %add3A_22 : vector<2176x32xf32>
    %reshape3A_24 = vector.shape_cast %add3A_23 : vector<2176x32xf32> to vector<17x128x32xf32>
    %get3A_25 = arith.constant 0 : index
    %get3A_26 = arith.constant 0 : index
    %get3A_27 = vector.load %arg6[%get3A_25, %get3A_26] : memref<1x32xf32, #tpu.memory_space<vmem>>, vector<1x32xf32>
    %get3A_28 = vector.shape_cast %get3A_27 : vector<1x32xf32> to vector<32xf32>
    %broadcast_in_dim3A_29 = vector.shape_cast %get3A_28 : vector<32xf32> to vector<1x1x32xf32>
    %get3A_30 = arith.constant 0 : index
    %get3A_31 = arith.constant 0 : index
    %get3A_32 = vector.load %arg7[%get3A_30, %get3A_31] : memref<1x32xf32, #tpu.memory_space<vmem>>, vector<1x32xf32>
    %get3A_33 = vector.shape_cast %get3A_32 : vector<1x32xf32> to vector<32xf32>
    %broadcast_in_dim3A_34 = vector.shape_cast %get3A_33 : vector<32xf32> to vector<1x1x32xf32>
    %reduce_sum3A = arith.constant dense<0.000000e+00> : vector<17x128xf32>
    %reduce_sum3A_35 = vector.multi_reduction <add>, %reshape3A_24, %reduce_sum3A [2] : vector<17x128x32xf32> to vector<17x128xf32>
    %broadcast_in_dim3A_36 = vector.shape_cast %reduce_sum3A_35 : vector<17x128xf32> to vector<17x128x1xf32>
    %div3A = arith.constant 3.200000e+01 : f32
    %div3A_37 = vector.broadcast %div3A : f32 to vector<17x128x1xf32>
    %div3A_38 = arith.divf %broadcast_in_dim3A_36, %div3A_37 : vector<17x128x1xf32>
    %sub3A = vector.broadcast %div3A_38 : vector<17x128x1xf32> to vector<17x128x32xf32>
    %sub3A_39 = arith.subf %reshape3A_24, %sub3A : vector<17x128x32xf32>
    %integer_pow3A = arith.mulf %sub3A_39, %sub3A_39 : vector<17x128x32xf32>
    %reduce_sum3A_40 = arith.constant dense<0.000000e+00> : vector<17x128xf32>
    %reduce_sum3A_41 = vector.multi_reduction <add>, %integer_pow3A, %reduce_sum3A_40 [2] : vector<17x128x32xf32> to vector<17x128xf32>
    %broadcast_in_dim3A_42 = vector.shape_cast %reduce_sum3A_41 : vector<17x128xf32> to vector<17x128x1xf32>
    %div3A_43 = arith.constant 3.200000e+01 : f32
    %div3A_44 = vector.broadcast %div3A_43 : f32 to vector<17x128x1xf32>
    %div3A_45 = arith.divf %broadcast_in_dim3A_42, %div3A_44 : vector<17x128x1xf32>
    %sub3A_46 = vector.broadcast %div3A_38 : vector<17x128x1xf32> to vector<17x128x32xf32>
    %sub3A_47 = arith.subf %reshape3A_24, %sub3A_46 : vector<17x128x32xf32>
    %add3A_48 = arith.constant 9.99999974E-6 : f32
    %add3A_49 = vector.broadcast %add3A_48 : f32 to vector<17x128x1xf32>
    %add3A_50 = arith.addf %div3A_45, %add3A_49 : vector<17x128x1xf32>
    %sqrt3A = math.sqrt %add3A_50 : vector<17x128x1xf32>
    %div3A_51 = vector.broadcast %sqrt3A : vector<17x128x1xf32> to vector<17x128x32xf32>
    %div3A_52 = arith.divf %sub3A_47, %div3A_51 : vector<17x128x32xf32>
    %mul3A = vector.broadcast %broadcast_in_dim3A_29 : vector<1x1x32xf32> to vector<17x128x32xf32>
    %mul3A_53 = arith.mulf %div3A_52, %mul3A : vector<17x128x32xf32>
    %add3A_54 = vector.broadcast %broadcast_in_dim3A_34 : vector<1x1x32xf32> to vector<17x128x32xf32>
    %add3A_55 = arith.addf %mul3A_53, %add3A_54 : vector<17x128x32xf32>
    %reshape3A_56 = vector.shape_cast %add3A_55 : vector<17x128x32xf32> to vector<17x4096xf32>
    %get3A_57 = arith.constant 0 : index
    %get3A_58 = arith.constant 0 : index
    %get3A_59 = vector.load %arg10[%get3A_57, %get3A_58] : memref<64x17xf32, #tpu.memory_space<vmem>>, vector<64x17xf32>
    %dot_general3A_60 = arith.constant dense<0.000000e+00> : vector<64x4096xf32>
    %dot_general3A_61 = tpu.matmul %get3A_59, %reshape3A_56, %dot_general3A_60 {dimension_numbers = #tpu.dot_dimension_numbers<[1], [0], [0], [1], [0, 0, 1, 1], [], []>, transpose_lhs_hint = false} : vector<64x17xf32>, vector<17x4096xf32>, vector<64x4096xf32> -> vector<64x4096xf32>
    %get3A_62 = arith.constant 0 : index
    %get3A_63 = arith.constant 0 : index
    %get3A_64 = vector.load %arg11[%get3A_62, %get3A_63] : memref<64x1xf32, #tpu.memory_space<vmem>>, vector<64x1xf32>
    %add3A_65 = vector.broadcast %get3A_64 : vector<64x1xf32> to vector<64x4096xf32>
    %add3A_66 = arith.addf %dot_general3A_61, %add3A_65 : vector<64x4096xf32>
    %integer_pow3A_67 = arith.mulf %add3A_66, %add3A_66 : vector<64x4096xf32>
    %integer_pow3A_68 = arith.mulf %add3A_66, %integer_pow3A_67 : vector<64x4096xf32>
    %mul3A_69 = arith.constant 4.471500e-02 : f32
    %mul3A_70 = vector.broadcast %mul3A_69 : f32 to vector<64x4096xf32>
    %mul3A_71 = arith.mulf %mul3A_70, %integer_pow3A_68 : vector<64x4096xf32>
    %add3A_72 = arith.addf %add3A_66, %mul3A_71 : vector<64x4096xf32>
    %mul3A_73 = arith.constant 0.797884583 : f32
    %mul3A_74 = vector.broadcast %mul3A_73 : f32 to vector<64x4096xf32>
    %mul3A_75 = arith.mulf %mul3A_74, %add3A_72 : vector<64x4096xf32>
    %tanh3A = math.tanh %mul3A_75 : vector<64x4096xf32>
    %add3A_76 = arith.constant 1.000000e+00 : f32
    %add3A_77 = vector.broadcast %add3A_76 : f32 to vector<64x4096xf32>
    %add3A_78 = arith.addf %add3A_77, %tanh3A : vector<64x4096xf32>
    %mul3A_79 = arith.constant 5.000000e-01 : f32
    %mul3A_80 = vector.broadcast %mul3A_79 : f32 to vector<64x4096xf32>
    %mul3A_81 = arith.mulf %mul3A_80, %add3A_78 : vector<64x4096xf32>
    %mul3A_82 = arith.mulf %add3A_66, %mul3A_81 : vector<64x4096xf32>
    %get3A_83 = arith.constant 0 : index
    %get3A_84 = arith.constant 0 : index
    %get3A_85 = vector.load %arg12[%get3A_83, %get3A_84] : memref<17x64xf32, #tpu.memory_space<vmem>>, vector<17x64xf32>
    %dot_general3A_86 = arith.constant dense<0.000000e+00> : vector<17x4096xf32>
    %dot_general3A_87 = tpu.matmul %get3A_85, %mul3A_82, %dot_general3A_86 {dimension_numbers = #tpu.dot_dimension_numbers<[1], [0], [0], [1], [0, 0, 1, 1], [], []>, transpose_lhs_hint = false} : vector<17x64xf32>, vector<64x4096xf32>, vector<17x4096xf32> -> vector<17x4096xf32>
    %get3A_88 = arith.constant 0 : index
    %get3A_89 = arith.constant 0 : index
    %get3A_90 = vector.load %arg13[%get3A_88, %get3A_89] : memref<17x1xf32, #tpu.memory_space<vmem>>, vector<17x1xf32>
    %add3A_91 = vector.broadcast %get3A_90 : vector<17x1xf32> to vector<17x4096xf32>
    %add3A_92 = arith.addf %dot_general3A_87, %add3A_91 : vector<17x4096xf32>
    %reshape3A_93 = vector.shape_cast %add3A_92 : vector<17x4096xf32> to vector<17x128x32xf32>
    %add3A_94 = arith.addf %reshape3A_24, %reshape3A_93 : vector<17x128x32xf32>
    %get3A_95 = arith.constant 0 : index
    %get3A_96 = arith.constant 0 : index
    %get3A_97 = vector.load %arg8[%get3A_95, %get3A_96] : memref<1x32xf32, #tpu.memory_space<vmem>>, vector<1x32xf32>
    %get3A_98 = vector.shape_cast %get3A_97 : vector<1x32xf32> to vector<32xf32>
    %broadcast_in_dim3A_99 = vector.shape_cast %get3A_98 : vector<32xf32> to vector<1x1x32xf32>
    %get3A_100 = arith.constant 0 : index
    %get3A_101 = arith.constant 0 : index
    %get3A_102 = vector.load %arg9[%get3A_100, %get3A_101] : memref<1x32xf32, #tpu.memory_space<vmem>>, vector<1x32xf32>
    %get3A_103 = vector.shape_cast %get3A_102 : vector<1x32xf32> to vector<32xf32>
    %broadcast_in_dim3A_104 = vector.shape_cast %get3A_103 : vector<32xf32> to vector<1x1x32xf32>
    %reduce_sum3A_105 = arith.constant dense<0.000000e+00> : vector<17x128xf32>
    %reduce_sum3A_106 = vector.multi_reduction <add>, %add3A_94, %reduce_sum3A_105 [2] : vector<17x128x32xf32> to vector<17x128xf32>
    %broadcast_in_dim3A_107 = vector.shape_cast %reduce_sum3A_106 : vector<17x128xf32> to vector<17x128x1xf32>
    %div3A_108 = arith.constant 3.200000e+01 : f32
    %div3A_109 = vector.broadcast %div3A_108 : f32 to vector<17x128x1xf32>
    %div3A_110 = arith.divf %broadcast_in_dim3A_107, %div3A_109 : vector<17x128x1xf32>
    %sub3A_111 = vector.broadcast %div3A_110 : vector<17x128x1xf32> to vector<17x128x32xf32>
    %sub3A_112 = arith.subf %add3A_94, %sub3A_111 : vector<17x128x32xf32>
    %integer_pow3A_113 = arith.mulf %sub3A_112, %sub3A_112 : vector<17x128x32xf32>
    %reduce_sum3A_114 = arith.constant dense<0.000000e+00> : vector<17x128xf32>
    %reduce_sum3A_115 = vector.multi_reduction <add>, %integer_pow3A_113, %reduce_sum3A_114 [2] : vector<17x128x32xf32> to vector<17x128xf32>
    %broadcast_in_dim3A_116 = vector.shape_cast %reduce_sum3A_115 : vector<17x128xf32> to vector<17x128x1xf32>
    %div3A_117 = arith.constant 3.200000e+01 : f32
    %div3A_118 = vector.broadcast %div3A_117 : f32 to vector<17x128x1xf32>
    %div3A_119 = arith.divf %broadcast_in_dim3A_116, %div3A_118 : vector<17x128x1xf32>
    %sub3A_120 = vector.broadcast %div3A_110 : vector<17x128x1xf32> to vector<17x128x32xf32>
    %sub3A_121 = arith.subf %add3A_94, %sub3A_120 : vector<17x128x32xf32>
    %add3A_122 = arith.constant 9.99999974E-6 : f32
    %add3A_123 = vector.broadcast %add3A_122 : f32 to vector<17x128x1xf32>
    %add3A_124 = arith.addf %div3A_119, %add3A_123 : vector<17x128x1xf32>
    %sqrt3A_125 = math.sqrt %add3A_124 : vector<17x128x1xf32>
    %div3A_126 = vector.broadcast %sqrt3A_125 : vector<17x128x1xf32> to vector<17x128x32xf32>
    %div3A_127 = arith.divf %sub3A_121, %div3A_126 : vector<17x128x32xf32>
    %mul3A_128 = vector.broadcast %broadcast_in_dim3A_99 : vector<1x1x32xf32> to vector<17x128x32xf32>
    %mul3A_129 = arith.mulf %div3A_127, %mul3A_128 : vector<17x128x32xf32>
    %add3A_130 = vector.broadcast %broadcast_in_dim3A_104 : vector<1x1x32xf32> to vector<17x128x32xf32>
    %add3A_131 = arith.addf %mul3A_129, %add3A_130 : vector<17x128x32xf32>
    %reshape3A_132 = vector.shape_cast %add3A_131 : vector<17x128x32xf32> to vector<2176x32xf32>
    %get3A_133 = arith.constant 0 : index
    %get3A_134 = arith.constant 0 : index
    %get3A_135 = vector.load %arg14[%get3A_133, %get3A_134] : memref<32x64xf32, #tpu.memory_space<vmem>>, vector<32x64xf32>
    %dot_general3A_136 = arith.constant dense<0.000000e+00> : vector<2176x64xf32>
    %dot_general3A_137 = tpu.matmul %reshape3A_132, %get3A_135, %dot_general3A_136 {dimension_numbers = #tpu.dot_dimension_numbers<[1], [0], [0], [1], [0, 0, 1, 1], [], []>, transpose_lhs_hint = false} : vector<2176x32xf32>, vector<32x64xf32>, vector<2176x64xf32> -> vector<2176x64xf32>
    %get3A_138 = arith.constant 0 : index
    %get3A_139 = arith.constant 0 : index
    %get3A_140 = vector.load %arg15[%get3A_138, %get3A_139] : memref<1x64xf32, #tpu.memory_space<vmem>>, vector<1x64xf32>
    %get3A_141 = vector.shape_cast %get3A_140 : vector<1x64xf32> to vector<64xf32>
    %broadcast_in_dim3A_142 = vector.shape_cast %get3A_141 : vector<64xf32> to vector<1x64xf32>
    %add3A_143 = vector.broadcast %broadcast_in_dim3A_142 : vector<1x64xf32> to vector<2176x64xf32>
    %add3A_144 = arith.addf %dot_general3A_137, %add3A_143 : vector<2176x64xf32>
    %integer_pow3A_145 = arith.mulf %add3A_144, %add3A_144 : vector<2176x64xf32>
    %integer_pow3A_146 = arith.mulf %add3A_144, %integer_pow3A_145 : vector<2176x64xf32>
    %mul3A_147 = arith.constant 4.471500e-02 : f32
    %mul3A_148 = vector.broadcast %mul3A_147 : f32 to vector<2176x64xf32>
    %mul3A_149 = arith.mulf %mul3A_148, %integer_pow3A_146 : vector<2176x64xf32>
    %add3A_150 = arith.addf %add3A_144, %mul3A_149 : vector<2176x64xf32>
    %mul3A_151 = arith.constant 0.797884583 : f32
    %mul3A_152 = vector.broadcast %mul3A_151 : f32 to vector<2176x64xf32>
    %mul3A_153 = arith.mulf %mul3A_152, %add3A_150 : vector<2176x64xf32>
    %tanh3A_154 = math.tanh %mul3A_153 : vector<2176x64xf32>
    %add3A_155 = arith.constant 1.000000e+00 : f32
    %add3A_156 = vector.broadcast %add3A_155 : f32 to vector<2176x64xf32>
    %add3A_157 = arith.addf %add3A_156, %tanh3A_154 : vector<2176x64xf32>
    %mul3A_158 = arith.constant 5.000000e-01 : f32
    %mul3A_159 = vector.broadcast %mul3A_158 : f32 to vector<2176x64xf32>
    %mul3A_160 = arith.mulf %mul3A_159, %add3A_157 : vector<2176x64xf32>
    %mul3A_161 = arith.mulf %add3A_144, %mul3A_160 : vector<2176x64xf32>
    %get3A_162 = arith.constant 0 : index
    %get3A_163 = arith.constant 0 : index
    %get3A_164 = vector.load %arg16[%get3A_162, %get3A_163] : memref<64x32xf32, #tpu.memory_space<vmem>>, vector<64x32xf32>
    %dot_general3A_165 = arith.constant dense<0.000000e+00> : vector<2176x32xf32>
    %dot_general3A_166 = tpu.matmul %mul3A_161, %get3A_164, %dot_general3A_165 {dimension_numbers = #tpu.dot_dimension_numbers<[1], [0], [0], [1], [0, 0, 1, 1], [], []>, transpose_lhs_hint = false} : vector<2176x64xf32>, vector<64x32xf32>, vector<2176x32xf32> -> vector<2176x32xf32>
    %get3A_167 = arith.constant 0 : index
    %get3A_168 = arith.constant 0 : index
    %get3A_169 = vector.load %arg17[%get3A_167, %get3A_168] : memref<1x32xf32, #tpu.memory_space<vmem>>, vector<1x32xf32>
    %get3A_170 = vector.shape_cast %get3A_169 : vector<1x32xf32> to vector<32xf32>
    %broadcast_in_dim3A_171 = vector.shape_cast %get3A_170 : vector<32xf32> to vector<1x32xf32>
    %add3A_172 = vector.broadcast %broadcast_in_dim3A_171 : vector<1x32xf32> to vector<2176x32xf32>
    %add3A_173 = arith.addf %dot_general3A_166, %add3A_172 : vector<2176x32xf32>
    %reshape3A_174 = vector.shape_cast %add3A_173 : vector<2176x32xf32> to vector<17x128x32xf32>
    %add3A_175 = arith.addf %add3A_94, %reshape3A_174 : vector<17x128x32xf32>
    %get3A_176 = arith.constant 0 : index
    %get3A_177 = arith.constant 0 : index
    %get3A_178 = vector.load %arg18[%get3A_176, %get3A_177] : memref<1x32xf32, #tpu.memory_space<vmem>>, vector<1x32xf32>
    %get3A_179 = vector.shape_cast %get3A_178 : vector<1x32xf32> to vector<32xf32>
    %broadcast_in_dim3A_180 = vector.shape_cast %get3A_179 : vector<32xf32> to vector<1x1x32xf32>
    %get3A_181 = arith.constant 0 : index
    %get3A_182 = arith.constant 0 : index
    %get3A_183 = vector.load %arg19[%get3A_181, %get3A_182] : memref<1x32xf32, #tpu.memory_space<vmem>>, vector<1x32xf32>
    %get3A_184 = vector.shape_cast %get3A_183 : vector<1x32xf32> to vector<32xf32>
    %broadcast_in_dim3A_185 = vector.shape_cast %get3A_184 : vector<32xf32> to vector<1x1x32xf32>
    %reduce_sum3A_186 = arith.constant dense<0.000000e+00> : vector<17x128xf32>
    %reduce_sum3A_187 = vector.multi_reduction <add>, %add3A_175, %reduce_sum3A_186 [2] : vector<17x128x32xf32> to vector<17x128xf32>
    %broadcast_in_dim3A_188 = vector.shape_cast %reduce_sum3A_187 : vector<17x128xf32> to vector<17x128x1xf32>
    %div3A_189 = arith.constant 3.200000e+01 : f32
    %div3A_190 = vector.broadcast %div3A_189 : f32 to vector<17x128x1xf32>
    %div3A_191 = arith.divf %broadcast_in_dim3A_188, %div3A_190 : vector<17x128x1xf32>
    %sub3A_192 = vector.broadcast %div3A_191 : vector<17x128x1xf32> to vector<17x128x32xf32>
    %sub3A_193 = arith.subf %add3A_175, %sub3A_192 : vector<17x128x32xf32>
    %integer_pow3A_194 = arith.mulf %sub3A_193, %sub3A_193 : vector<17x128x32xf32>
    %reduce_sum3A_195 = arith.constant dense<0.000000e+00> : vector<17x128xf32>
    %reduce_sum3A_196 = vector.multi_reduction <add>, %integer_pow3A_194, %reduce_sum3A_195 [2] : vector<17x128x32xf32> to vector<17x128xf32>
    %broadcast_in_dim3A_197 = vector.shape_cast %reduce_sum3A_196 : vector<17x128xf32> to vector<17x128x1xf32>
    %div3A_198 = arith.constant 3.200000e+01 : f32
    %div3A_199 = vector.broadcast %div3A_198 : f32 to vector<17x128x1xf32>
    %div3A_200 = arith.divf %broadcast_in_dim3A_197, %div3A_199 : vector<17x128x1xf32>
    %sub3A_201 = vector.broadcast %div3A_191 : vector<17x128x1xf32> to vector<17x128x32xf32>
    %sub3A_202 = arith.subf %add3A_175, %sub3A_201 : vector<17x128x32xf32>
    %add3A_203 = arith.constant 9.99999974E-6 : f32
    %add3A_204 = vector.broadcast %add3A_203 : f32 to vector<17x128x1xf32>
    %add3A_205 = arith.addf %div3A_200, %add3A_204 : vector<17x128x1xf32>
    %sqrt3A_206 = math.sqrt %add3A_205 : vector<17x128x1xf32>
    %div3A_207 = vector.broadcast %sqrt3A_206 : vector<17x128x1xf32> to vector<17x128x32xf32>
    %div3A_208 = arith.divf %sub3A_202, %div3A_207 : vector<17x128x32xf32>
    %mul3A_209 = vector.broadcast %broadcast_in_dim3A_180 : vector<1x1x32xf32> to vector<17x128x32xf32>
    %mul3A_210 = arith.mulf %div3A_208, %mul3A_209 : vector<17x128x32xf32>
    %add3A_211 = vector.broadcast %broadcast_in_dim3A_185 : vector<1x1x32xf32> to vector<17x128x32xf32>
    %add3A_212 = arith.addf %mul3A_210, %add3A_211 : vector<17x128x32xf32>
    %reshape3A_213 = vector.shape_cast %add3A_212 : vector<17x128x32xf32> to vector<2176x32xf32>
    %get3A_214 = arith.constant 0 : index
    %get3A_215 = arith.constant 0 : index
    %get3A_216 = vector.load %arg20[%get3A_214, %get3A_215] : memref<32x2xf32, #tpu.memory_space<vmem>>, vector<32x2xf32>
    %dot_general3A_217 = arith.constant dense<0.000000e+00> : vector<2176x2xf32>
    %dot_general3A_218 = tpu.matmul %reshape3A_213, %get3A_216, %dot_general3A_217 {dimension_numbers = #tpu.dot_dimension_numbers<[1], [0], [0], [1], [0, 0, 1, 1], [], []>, transpose_lhs_hint = false} : vector<2176x32xf32>, vector<32x2xf32>, vector<2176x2xf32> -> vector<2176x2xf32>
    %get3A_219 = arith.constant 0 : index
    %get3A_220 = arith.constant 0 : index
    %get3A_221 = vector.load %arg21[%get3A_219, %get3A_220] : memref<1x2xf32, #tpu.memory_space<vmem>>, vector<1x2xf32>
    %get3A_222 = vector.shape_cast %get3A_221 : vector<1x2xf32> to vector<2xf32>
    %broadcast_in_dim3A_223 = vector.shape_cast %get3A_222 : vector<2xf32> to vector<1x2xf32>
    %add3A_224 = vector.broadcast %broadcast_in_dim3A_223 : vector<1x2xf32> to vector<2176x2xf32>
    %add3A_225 = arith.addf %dot_general3A_218, %add3A_224 : vector<2176x2xf32>
    %reshape3A_226 = vector.shape_cast %add3A_225 : vector<2176x2xf32> to vector<17x128x2xf32>
    %swap3A = arith.constant 0 : index
    %swap3A_227 = arith.constant 0 : index
    %swap3A_228 = arith.constant 0 : index
    %swap3A_229 = vector.load %arg22[%swap3A, %swap3A_227, %swap3A_228] : memref<17x128x2xf32, #tpu.memory_space<vmem>>, vector<17x128x2xf32>
    tpu.vector_store %arg22[%swap3A, %swap3A_227, %swap3A_228], %reshape3A_226 {strides = array<i32>} : memref<17x128x2xf32, #tpu.memory_space<vmem>>, vector<17x128x2xf32>,
    return
  }
  func.func @transform_0(%arg0: i32) -> (i32, i32, i32) {
    %c0_i32 = arith.constant 0 : i32
    %c0_i32_0 = arith.constant 0 : i32
    %c0_i32_1 = arith.constant 0 : i32
    return %c0_i32, %arg0, %c0_i32_0 : i32, i32, i32
  }
  func.func @transform_1(%arg0: i32) -> (i32, i32) {
    %c0_i32 = arith.constant 0 : i32
    %c0_i32_0 = arith.constant 0 : i32
    %c0_i32_1 = arith.constant 0 : i32
    return %c0_i32, %c0_i32_0 : i32, i32
  }
  func.func @transform_2(%arg0: i32) -> (i32, i32) {
    %c0_i32 = arith.constant 0 : i32
    %c0_i32_0 = arith.constant 0 : i32
    %c0_i32_1 = arith.constant 0 : i32
    return %c0_i32, %c0_i32_0 : i32, i32
  }
  func.func @transform_3(%arg0: i32) -> (i32, i32) {
    %c0_i32 = arith.constant 0 : i32
    %c0_i32_0 = arith.constant 0 : i32
    %c0_i32_1 = arith.constant 0 : i32
    return %c0_i32, %c0_i32_0 : i32, i32
  }
  func.func @transform_4(%arg0: i32) -> (i32, i32) {
    %c0_i32 = arith.constant 0 : i32
    %c0_i32_0 = arith.constant 0 : i32
    %c0_i32_1 = arith.constant 0 : i32
    return %c0_i32, %c0_i32_0 : i32, i32
  }
  func.func @transform_5(%arg0: i32) -> (i32, i32) {
    %c0_i32 = arith.constant 0 : i32
    %c0_i32_0 = arith.constant 0 : i32
    %c0_i32_1 = arith.constant 0 : i32
    return %c0_i32, %c0_i32_0 : i32, i32
  }
  func.func @transform_6(%arg0: i32) -> (i32, i32) {
    %c0_i32 = arith.constant 0 : i32
    %c0_i32_0 = arith.constant 0 : i32
    %c0_i32_1 = arith.constant 0 : i32
    return %c0_i32, %c0_i32_0 : i32, i32
  }
  func.func @transform_7(%arg0: i32) -> (i32, i32) {
    %c0_i32 = arith.constant 0 : i32
    %c0_i32_0 = arith.constant 0 : i32
    %c0_i32_1 = arith.constant 0 : i32
    return %c0_i32, %c0_i32_0 : i32, i32
  }
  func.func @transform_8(%arg0: i32) -> (i32, i32) {
    %c0_i32 = arith.constant 0 : i32
    %c0_i32_0 = arith.constant 0 : i32
    %c0_i32_1 = arith.constant 0 : i32
    return %c0_i32, %c0_i32_0 : i32, i32
  }
  func.func @transform_9(%arg0: i32) -> (i32, i32) {
    %c0_i32 = arith.constant 0 : i32
    %c0_i32_0 = arith.constant 0 : i32
    %c0_i32_1 = arith.constant 0 : i32
    return %c0_i32, %c0_i32_0 : i32, i32
  }
  func.func @transform_10(%arg0: i32) -> (i32, i32) {
    %c0_i32 = arith.constant 0 : i32
    %c0_i32_0 = arith.constant 0 : i32
    %c0_i32_1 = arith.constant 0 : i32
    return %c0_i32, %c0_i32_0 : i32, i32
  }
  func.func @transform_11(%arg0: i32) -> (i32, i32) {
    %c0_i32 = arith.constant 0 : i32
    %c0_i32_0 = arith.constant 0 : i32
    %c0_i32_1 = arith.constant 0 : i32
    return %c0_i32, %c0_i32_0 : i32, i32
  }
  func.func @transform_12(%arg0: i32) -> (i32, i32) {
    %c0_i32 = arith.constant 0 : i32
    %c0_i32_0 = arith.constant 0 : i32
    %c0_i32_1 = arith.constant 0 : i32
    return %c0_i32, %c0_i32_0 : i32, i32
  }
  func.func @transform_13(%arg0: i32) -> (i32, i32) {
    %c0_i32 = arith.constant 0 : i32
    %c0_i32_0 = arith.constant 0 : i32
    %c0_i32_1 = arith.constant 0 : i32
    return %c0_i32, %c0_i32_0 : i32, i32
  }
  func.func @transform_14(%arg0: i32) -> (i32, i32) {
    %c0_i32 = arith.constant 0 : i32
    %c0_i32_0 = arith.constant 0 : i32
    %c0_i32_1 = arith.constant 0 : i32
    return %c0_i32, %c0_i32_0 : i32, i32
  }
  func.func @transform_15(%arg0: i32) -> (i32, i32) {
    %c0_i32 = arith.constant 0 : i32
    %c0_i32_0 = arith.constant 0 : i32
    %c0_i32_1 = arith.constant 0 : i32
    return %c0_i32, %c0_i32_0 : i32, i32
  }
  func.func @transform_16(%arg0: i32) -> (i32, i32) {
    %c0_i32 = arith.constant 0 : i32
    %c0_i32_0 = arith.constant 0 : i32
    %c0_i32_1 = arith.constant 0 : i32
    return %c0_i32, %c0_i32_0 : i32, i32
  }
  func.func @transform_17(%arg0: i32) -> (i32, i32) {
    %c0_i32 = arith.constant 0 : i32
    %c0_i32_0 = arith.constant 0 : i32
    %c0_i32_1 = arith.constant 0 : i32
    return %c0_i32, %c0_i32_0 : i32, i32
  }
  func.func @transform_18(%arg0: i32) -> (i32, i32) {
    %c0_i32 = arith.constant 0 : i32
    %c0_i32_0 = arith.constant 0 : i32
    %c0_i32_1 = arith.constant 0 : i32
    return %c0_i32, %c0_i32_0 : i32, i32
  }
  func.func @transform_19(%arg0: i32) -> (i32, i32) {
    %c0_i32 = arith.constant 0 : i32
    %c0_i32_0 = arith.constant 0 : i32
    %c0_i32_1 = arith.constant 0 : i32
    return %c0_i32, %c0_i32_0 : i32, i32
  }
  func.func @transform_20(%arg0: i32) -> (i32, i32) {
    %c0_i32 = arith.constant 0 : i32
    %c0_i32_0 = arith.constant 0 : i32
    %c0_i32_1 = arith.constant 0 : i32
    return %c0_i32, %c0_i32_0 : i32, i32
  }
  func.func @transform_21(%arg0: i32) -> (i32, i32, i32) {
    %c0_i32 = arith.constant 0 : i32
    %c0_i32_0 = arith.constant 0 : i32
    %c0_i32_1 = arith.constant 0 : i32
    return %c0_i32, %arg0, %c0_i32_0 : i32, i32, i32
  }
}

</mosaic_0001>

<sc_bundles>
// kernel: kernel.5.cloned.1.call-start
scs
__scs_entry_jumppad:
0x0: {  	(pc) =	sbr.rel $0x88, $3  }
0x1: {  	(tag) =	ssettag $0x0;
	lr =	simm.s32 $0x1  }
0x2: {  	[smem:$0x3F50] =	sst lr;
	_ =	strace $0xD0000000  }
0x3: {  	_ = 	snop  }
0x4: {  	_ = 	snop  }
0x5: {  	_ = 	snop  }
0x6: {  	_ = 	snop  }
0x7: {  	_ = 	snop  }
__scs_overlays_trampoline_lowered:
0x8: {  	[smem:$0x3F5F] =	sst s0  }
0x9: {  	[smem:$0x3F60] =	sst s1  }
0xa: {  	[smem:$0x3F61] =	sst s2  }
0xb: {  	[smem:$0x3F62] =	sst s3  }
0xc: {  	[smem:$0x3F63] =	sst s4  }
0xd: {  	[smem:$0x3F64] =	sst s5  }
0xe: {  	[smem:$0x3F65] =	sst s6  }
0xf: {  	[smem:$0x3F66] =	sst s7  }
0x10: {  	[smem:$0x3F67] =	sst s8  }
0x11: {  	[smem:$0x3F68] =	sst s9;
	s0 =	simm.s32 @!p0 $0x0  }
0x12: {  	s1 =	sld [smem:$0x3F4E];
	s0 =	simm.s32 @p0 $0x1  }
0x13: {  	[smem:$0x3F69] =	sst s0;
	s0 =	simm.s32 @!p1 $0x0  }
0x14: {  	s2 =	sld [smem:$0x3F4D];
	s0 =	simm.s32 @p1 $0x1  }
0x15: {  	[smem:$0x3F6A] =	sst s0;
	s0 =	simm.s32 @!p2 $0x0  }
0x16: {  	s3 =	sld [smem:$0x3FDB];
	s0 =	simm.s32 @p2 $0x1  }
0x17: {  	s4 =	simm.s32 $0x1BF5;
	[smem:$0x3F6C] =	sst s0  }
0x18: {  	s0 =	sld [smem:$0x3F4F];
	_ =	swait.ge [sflag:s4], $0x0  }
0x19: {  	s7 =	sld [smem:$0x3F50]  }
0x1a: {  	s8 =	sadd.s32 $0xFFFFE003, lr  }
0x1b: {  	s9 =	sadd.s32 $0xFFFFFEF7, lr;
	s5 =	simm.s32 $0xFFFFFFFF;
	p2 =	slt.u32 s8, $0xFFFFF086  }
0x1c: {  	p1 =	slt.u32 s9, $0xF7A;
	s5 =	simm.s32 @!p2 $0x0  }
0x1d: {  	s5 =	simm.s32 @p1 $0x1;
	p0 =	seq.s32 s7, s2  }
0x1e: {  	s7 =	smul.u32 @!p0 $0xF7A, s2;
	p2 =	seq.s32 @!p0 s5, $0x0  }
0x1f: {  	s9 =	smul.u32 $0xF7A, s1;
	s8 =	simm.s32 @!p0 $0x1BF5;
	p2 =	por !p2, p0  }
0x20: {  	[sflag:s8] =	ssyncset.s32 @!p0 $0xFFFFF086;
	s6 =	sadd.s32 @!p0 s3, s7;
	s7 =	simm.s32 @!p0 $0x108  }
0x21: {  	s3 =	sadd.s32 s3, s9;
	s6 =	sadd.s32 @!p0 $0x88, s6;
	s7 =	simm.s32 @p2 $0x1082  }
0x22: {  	[simem:s7], [sflag:s8] =	dma.local @!p0 [hbm:s6], $0xF7A  }
0x23: {  	s9 =	sor.u32 $0xD0000000, s2;
	s6 =	simm.s32 $0x108;
	_ =	swait.ge @!p0 [sflag:s8], $0x0  }
0x24: {  	s3 =	sadd.s32 $0x88, s3;
	s6 =	simm.s32 @!p1 $0x1082;
	[sflag:s4] =	ssyncset.s32 $0xFFFFF086  }
0x25: {  	[simem:s6], [sflag:s4] =	dma.local [hbm:s3], $0xF7A  }
0x26: {  	[smem:$0x3F50] =	sst s1;
	(tag) =	ssettag s2;
	_ =	strace s9  }
0x27: {  	s1 =	sld [smem:$0x3F60]  }
0x28: {  	s2 =	sld [smem:$0x3F61]  }
0x29: {  	s4 =	sld [smem:$0x3F63]  }
0x2a: {  	p0 =	seq.s32 s5, $0x0;
	s5 =	sld [smem:$0x3F64]  }
0x2b: {  	s6 =	sld [smem:$0x3F65]  }
0x2c: {  	s7 =	sld [smem:$0x3F66]  }
0x2d: {  	s3 =	simm.s32 $0x108;
	s8 =	sld [smem:$0x3F67]  }
0x2e: {  	s3 =	simm.s32 @!p0 $0x1082;
	s9 =	sld [smem:$0x3F68]  }
0x2f: {  	lr =	sadd.s32 s0, s3;
	s0 =	sld [smem:$0x3F5F]  }
0x30: {  	s3 =	sld [smem:$0x3F62]  }
0x31: {  	[smem:$0x3F6B] =	sst s10  }
0x32: {  	s10 =	sld [smem:$0x3F69];
	_ =	sdelay $0x3  }
0x33: {  	p0 =	seq.s32 s10, $0x1;
	s10 =	sld [smem:$0x3F6B];
	_ =	sdelay $0x3  }
0x34: {  	[smem:$0x3F6B] =	sst s10  }
0x35: {  	s10 =	sld [smem:$0x3F6A];
	_ =	sdelay $0x3  }
0x36: {  	p1 =	seq.s32 s10, $0x1;
	s10 =	sld [smem:$0x3F6B];
	_ =	sdelay $0x3  }
0x37: {  	[smem:$0x3F6B] =	sst s10  }
0x38: {  	s10 =	sld [smem:$0x3F6C]  }
0x39: {  	_ = 	snop;
	(pc) =	sbr.ind lr, $3  }
0x3a: {  	_ = 	snop  }
0x3b: {  	_ = 	snop  }
0x3c: {  	p2 =	seq.s32 s10, $0x1;
	s10 =	sld [smem:$0x3F6B]  }
0x3d: {  	_ =	shalt  }
0x3e: {  	_ =	shalt  }
0x3f: {  	_ =	shalt  }
0x40: {  	_ =	shalt  }
0x41: {  	_ =	shalt  }
0x42: {  	_ =	shalt  }
0x43: {  	_ =	shalt  }
0x44: {  	_ =	shalt  }
0x45: {  	_ =	shalt  }
0x46: {  	_ =	shalt  }
0x47: {  	_ =	shalt  }
0x48: {  	_ =	shalt  }
0x49: {  	_ =	shalt  }
0x4a: {  	_ =	shalt  }
0x4b: {  	_ =	shalt  }
0x4c: {  	_ =	shalt  }
0x4d: {  	_ =	shalt  }
0x4e: {  	_ =	shalt  }
0x4f: {  	_ =	shalt  }
0x50: {  	_ =	shalt  }
0x51: {  	_ =	shalt  }
0x52: {  	_ =	shalt  }
0x53: {  	_ =	shalt  }
0x54: {  	_ =	shalt  }
0x55: {  	_ =	shalt  }
0x56: {  	_ =	shalt  }
0x57: {  	_ =	shalt  }
0x58: {  	_ =	shalt  }
0x59: {  	_ =	shalt  }
0x5a: {  	_ =	shalt  }
0x5b: {  	_ =	shalt  }
0x5c: {  	_ =	shalt  }
0x5d: {  	_ =	shalt  }
0x5e: {  	_ =	shalt  }
0x5f: {  	_ =	shalt  }
0x60: {  	_ =	shalt  }
0x61: {  	_ =	shalt  }
0x62: {  	_ =	shalt  }
0x63: {  	_ =	shalt  }
0x64: {  	_ =	shalt  }
0x65: {  	_ =	shalt  }
0x66: {  	_ =	shalt  }
0x67: {  	_ =	shalt  }
0x68: {  	_ =	shalt  }
0x69: {  	_ =	shalt  }
0x6a: {  	_ =	shalt  }
0x6b: {  	_ =	shalt  }
0x6c: {  	_ =	shalt  }
0x6d: {  	_ =	shalt  }
0x6e: {  	_ =	shalt  }
0x6f: {  	_ =	shalt  }
0x70: {  	_ =	shalt  }
0x71: {  	_ =	shalt  }
0x72: {  	_ =	shalt  }
0x73: {  	_ =	shalt  }
0x74: {  	_ =	shalt  }
0x75: {  	_ =	shalt  }
0x76: {  	_ =	shalt  }
0x77: {  	_ =	shalt  }
0x78: {  	_ =	shalt  }
0x79: {  	_ =	shalt  }
0x7a: {  	_ =	shalt  }
0x7b: {  	_ =	shalt  }
0x7c: {  	_ =	shalt  }
0x7d: {  	_ =	shalt  }
0x7e: {  	_ =	shalt  }
0x7f: {  	_ =	shalt  }
0x80: {  	_ =	shalt  }
0x81: {  	_ =	shalt  }
0x82: {  	_ =	shalt  }
0x83: {  	_ =	shalt  }
0x84: {  	_ =	shalt  }
0x85: {  	_ =	shalt  }
0x86: {  	_ =	shalt  }
0x87: {  	_ =	shalt  }
.Lfunc_end0:
.L_simem_size_0:
called_computation.1_lowered:
.L_overlay_start_0:
0x88: {  	s2 =	sld [smem:$0x3FD9]  }
0x89: {  	s3 =	sld [smem:$0x3FFE];
	_ =	sdelay $0x1  }
0x8a: {  	s1 =	srdreg.scid  }
0x8b: {  	s0 =	sand.u32 $0x1, s1  }
0x8c: {  	s14 =	sshll.u32 s0, $0xA;
	s2 =	sadd.s32 s3, s2  }
0x8d: {  	s2 =	sadd.s32 s2, s14  }
0x8e: {  	[smem:$0x3F77] =	sst s2  }
0x8f: {  	_ = 	snop  }
0x90: {  	s2 =	sld [smem:$0x3FD0];
	_ =	sdelay $0x2  }
0x91: {  	s4 =	simm.s32 $0xA;
	s5 =	simm.s32 $0x10;
	s15 =	sld [smem:$0x3F79]  }
0x92: {  	[smem:s5], [sflag:s4] =	dma.local [hbm:s2], $0x1  }
0x93: {  	_ =	swait.eq [sflag:s4], $0x1  }
0x94: {  	[sflag:s4] =	ssyncset.done $0x0  }
0x95: {  	[sflag:s4] =	ssyncadd.s32 $0xFFFFFFFF  }
0x96: {  	s16 =	sld [smem:$0x10];
	(tm) =	ssettm $0x1  }
0x97: {  	s17 =	sld [smem:$0x3FFB];
	_ =	sdelay $0x3  }
0x98: {  	_ =	strace s17  }
0x99: {  	s4 =	sld [smem:$0x3FFC];
	_ =	sdelay $0x3  }
0x9a: {  	_ =	strace s4  }
0x9b: {  	s4 =	sld [smem:$0x3FFD];
	_ =	sdelay $0x3  }
0x9c: {  	_ =	strace s4  }
0x9d: {  	_ =	strace $0x8FFFFFFF  }
0x9e: {  	s18 =	sld [smem:$0x3FDB];
	_ =	sdelay $0x1  }
0x9f: {  	s19 =	simm.s32 $_scs_section_size  }
0xa0: {  	s6 =	simm.s32 $_size__tile_overlayer_lowered;
	s7 =	simm.s32 $_tile_overlayer_lowered  }
0xa1: {  	s22 =	simm.s32 $0x1BFF;
	s21 =	sshll.u32 s7, $0x1;
	s4 =	sadd.s32 s19, s18  }
0xa2: {  	s8 =	simm.s32 $0x0;
	s20 =	sshll.u32 s6, $0x1;
	s6 =	sadd.s32 s21, s4  }
0xa3: {  	[timem:s8], [sflag:s22] =	dma.local [hbm:s6], s20  }
0xa4: {  	_ =	swait.ge [sflag:s22], s20  }
0xa5: {  	s5 =	ssub.s32 $0x0, s20;
	[sflag:s22] =	ssyncset.done $0x0  }
0xa6: {  	[sflag:s22] =	ssyncadd.s32 s5;
	_ =	sdelay $0x1  }
0xa7: {  	s23 =	simm.s32 $0x1B8B  }
0xa8: {  	_ =	swait.ge [sflag:s23], $0x1  }
0xa9: {  	[sflag:s23] =	ssyncset.done $0x0  }
0xaa: {  	s25 =	simm.s32 $0x1B8E;
	s24 =	sld [smem:$0x3FFE];
	[sflag:s23] =	ssyncadd.s32 $0xFFFFFFFF  }
0xab: {  	s26 =	simm.s32 $execute0_lowered;
	[smem:$0x3FD2] =	sst s25  }
0xac: {  	s6 =	sshll.u32 s26, $0x1;
	_ =	strace $0x80000049;
	[dreg:$0x1] =	wrdreg $0xFFFFFFFF  }
0xad: {  	s28 =	simm.s32 $_size_execute0_lowered;
	s4 =	sadd.s32 s4, s6;
	[dreg:$0x0] =	wrdreg $0x0  }
0xae: {  	s6 =	sshll.u32 s28, $0x1;
	[dreg:$0x2] =	wrdreg s4  }
0xaf: {  	[dreg:$0x3] =	wrdreg s6  }
0xb0: {  	[dreg:$0x4] =	wrdreg $0xC0  }
0xb1: {  	_ =	task [dreg:s8], $0x5FFFF  }
0xb2: {  	[dreg:$0x1] =	wrdreg $0xFFFFFFFF  }
0xb3: {  	[dreg:$0x0] =	wrdreg $0x60  }
0xb4: {  	[dreg:$0x2] =	wrdreg s15  }
0xb5: {  	[dreg:$0x3] =	wrdreg s16  }
0xb6: {  	[dreg:$0x4] =	wrdreg s24  }
0xb7: {  	[dreg:$0x5] =	wrdreg $0x9  }
0xb8: {  	_ =	task.clear_ibuf [dreg:s8], $0x6FFFF;
	_ =	strace $0x90000049  }
0xb9: {  	s29 =	simm.s32 $0x9;
	_ =	strace $0x8000004B  }
0xba: {  	_ =	swait.ge [sflag:s29], $0x1  }
0xbb: {  	[sflag:s29] =	ssyncadd.s32 $0xFFFFFFFF  }
0xbc: {  	_ =	strace $0x9000004B  }
0xbd: {  	_ =	sfence  }
0xbe: {  	s30 =	sld [smem:$0x0];
	_ =	sdelay $0x2  }
0xbf: {  	s31 =	sshll.u32 s1, $0xD;
	s1 =	sshrl.u32 s1, $0x2  }
0xc0: {  	s3 =	sand.u32 $0x4000, s31;
	s1 =	sadd.s32 s1, s30  }
0xc1: {  	s0 =	sor.u32 s3, s0;
	s1 =	sshll.u32 s1, $0x11  }
0xc2: {  	s0 =	sor.u32 s1, s0  }
0xc3: {  	s0 =	sadd.s32 $0x8F2B, s0  }
0xc4: {  	[sflag:s0] =	ssyncadd.remote.s32 $0x1  }
0xc5: {  	_ =	sfence.sel $0xFFFF  }
0xc6: {  	[dreg:$0x0] =	wrdreg $0xFFFFFFFF;
	(pc) =	sbr.abs _section_cstart, $3  }
0xc7: {  	[dreg:$0x1] =	wrdreg $0xFFFFFFFF  }
0xc8: {  	_ =	task.clear_ibuf [dreg:s8], $0x2FFFF;
	_ =	strace $0x9FFFFFFF  }
0xc9: {  	(tm) =	ssettm $0x7FFFFFFF  }
tec
execute0_lowered:
.L_overlay_start_1:
0x0: {  	(tag) =	ssettag $0x1  }
0x1: {  	s1 =	rddreg [dreg:$0x0]  }
0x2: {  	s4 =	rddreg [dreg:$0x1]  }
0x3: {  	s0 =	srdreg.scid;
	s5 =	rddreg [dreg:$0x2];
	s3 =	simm.s32 $0x0  }
0x4: {  	s2 =	stileid.u32;
	s23 =	simm.s32 $0x10080;
	[smem:$0x7FF] =	sst s3  }
0x5: {  	s24 =	simm.s32 $0x10900;
	_ =	strace $0x8000004A;
	[dreg:$0xe] =	wrdreg s23  }
0x6: {  	s25 =	simm.s32 $0x11100;
	s26 =	simm.s32 $0x11900;
	[dreg:$0xf] =	wrdreg s24  }
0x7: {  	s28 =	simm.s32 $0x12100;
	s29 =	simm.s32 $0x12900;
	[dreg:$0x10] =	wrdreg s25  }
0x8: {  	s0 =	sand.u32 $0x1, s0;
	s2 =	sshll.u32 s2, $0x1;
	[dreg:$0x11] =	wrdreg s26  }
0x9: {  	s30 =	simm.s32 $0x13100;
	s2 =	sor.u32 s0, s2;
	[dreg:$0x12] =	wrdreg s28  }
0xa: {  	s31 =	simm.s32 $0x13900;
	[dreg:$0x13] =	wrdreg s29;
	s6 =	smul.u32 $0x220, s2  }
0xb: {  	s0 =	ssub.s32 $0x2, s0;
	[dreg:$0x14] =	wrdreg s30;
	s2 =	smul.u32 $0x8800, s2  }
0xc: {  	s5 =	sadd.s32 $0x4800, s5;
	[dreg:$0x15] =	wrdreg s31;
	s16 =	sshrl.u32 s0, $0x1  }
0xd: {  	s0 =	ssub.s32 s0, s16;
	s7 =	sshrl.u32 s6, $0x3;
	s2 =	sadd.s32 s5, s2  }
0xe: {  	s8 =	sadd.s32 $0x80, s6;
	s15 =	sadd.s32 $0x180, s6;
	s7 =	sadd.s32 s4, s7  }
0xf: {  	[dreg:$0x5] =	wrdreg s2;
	s9 =	sshrl.u32 s8, $0x3;
	s17 =	sshrl.u32 s15, $0x3  }
0x10: {  	[dreg:$0x4] =	wrdreg s7;
	s2 =	sadd.s32 s4, s9;
	s7 =	sshll.u32 s8, $0x6  }
0x11: {  	s8 =	sadd.s32 $0x100, s6;
	s6 =	sadd.s32 $0x200, s6;
	[dreg:$0x6] =	wrdreg s2  }
0x12: {  	s10 =	sadd.s32 s5, s7;
	s11 =	sshrl.u32 s8, $0x3;
	s13 =	sshll.u32 s8, $0x6  }
0x13: {  	s2 =	sadd.s32 s4, s17;
	s7 =	sshll.u32 s15, $0x6;
	[dreg:$0x7] =	wrdreg s10  }
0x14: {  	s19 =	sshrl.u32 s6, $0x3;
	s12 =	sadd.s32 s4, s11;
	[dreg:$0xa] =	wrdreg s2  }
0x15: {  	s21 =	sshll.u32 s6, $0x6;
	s14 =	sadd.s32 s5, s13;
	[dreg:$0x8] =	wrdreg s12  }
0x16: {  	s6 =	simm.s32 $0x2;
	s18 =	sadd.s32 s5, s7;
	[dreg:$0x9] =	wrdreg s14  }
0x17: {  	v2 =	vlaneseq.u32;
	s20 =	sadd.s32 s4, s19;
	s22 =	sadd.s32 s5, s21;
	[dreg:$0xb] =	wrdreg s18  }
0x18: {  	vm0 =	vmmov $0xffff;
	v1 =	vshrl.u32 v2, $0x3;
	s4 =	sadd.s32 $0x100, s1;
	s5 =	smax.u32 s0, $0x1;
	[dreg:$0xc] =	wrdreg s20  }
0x19: {  	v0 =	vand.u32 $0x7, v2;
	v2 =	vor.u32 $0x8, v2;
	v1 =	vmul.u32 $0x8, v1;
	s2 =	simm.s32 $0x80;
	[dreg:$0xd] =	wrdreg s22;
	s14 =	simm.s32 $0x1  }
.LBB2_1:
0x1a: {  	s15 =	rddreg [dreg:$0x4]  }
0x1b: {  	[tilespmem:s3], [sflag:$0x2] =	stream.linear.gather [hbm4b:s15+s3], $0x80, $0x38;
	[tilespmem:$0x14100] =	vst v63  }
0x1c: {  	_ =	swait.ge [sflag:s6], $0x80  }
0x1d: {  	[sflag:s6] =	ssyncset.done $0x0  }
0x1e: {  	[sflag:s6] =	ssyncadd.s32 $0xFFFFFF80  }
0x1f: {  	v3 =	vld [tilespmem:$0x0];
	_ =	sdelay $0x4  }
0x20: {  	v4 =	vshll.u32 v3, $0x2  }
0x21: {  	v3 =	vand.u32 $0x7, v3;
	v4 =	vand.u32 $0xFFFFFFE0, v4  }
0x22: {  	v3 =	vor.u32 v3, v4  }
0x23: {  	v4 =	vperm.xlane v3, v0;
	_ =	sdelay $0x1  }
0x24: {  	v4 =	vadd.s32 v1, v4;
	_ =	sdelay $0x1  }
0x25: {  	v3 =	vperm.xlane v3, v2;
	_ =	sdelay $0x1  }
0x26: {  	v3 =	vadd.s32 v1, v3  }
0x27: {  	[tilespmem:s2], [sflag:$0x1] =	stream.indirect_vreg.gather [hbm4b:s1+s3], $0x80, v4, vm0, $0xb8;
	[tilespmem:$0x14100] =	vst v63  }
0x28: {  	s0 =	simm.s32 $0x880  }
0x29: {  	[tilespmem:s0], [sflag:$0x1] =	stream.indirect_vreg.gather [hbm4b:s4+s3], $0x80, v4, vm0, $0xb8;
	[tilespmem:$0x14100] =	vst v63  }
0x2a: {  	s7 =	simm.s32 $0x1080  }
0x2b: {  	[tilespmem:s7], [sflag:$0x1] =	stream.indirect_vreg.gather [hbm4b:s1+s3], $0x80, v3, vm0, $0xb8;
	[tilespmem:$0x14100] =	vst v63  }
0x2c: {  	s8 =	simm.s32 $0x1880  }
0x2d: {  	[tilespmem:s8], [sflag:$0x1] =	stream.indirect_vreg.gather [hbm4b:s4+s3], $0x80, v3, vm0, $0xb8;
	[tilespmem:$0x14100] =	vst v63  }
0x2e: {  	v3 =	vld [tilespmem:$0x10];
	_ =	sdelay $0x4  }
0x2f: {  	v31 =	vshll.u32 v3, $0x2  }
0x30: {  	v3 =	vand.u32 $0x7, v3;
	v4 =	vand.u32 $0xFFFFFFE0, v31  }
0x31: {  	v3 =	vor.u32 v3, v4  }
0x32: {  	v4 =	vperm.xlane v3, v0;
	_ =	sdelay $0x1  }
0x33: {  	v4 =	vadd.s32 v1, v4;
	_ =	sdelay $0x1  }
0x34: {  	v3 =	vperm.xlane v3, v2;
	_ =	sdelay $0x1  }
0x35: {  	s9 =	simm.s32 $0x2080;
	v3 =	vadd.s32 v1, v3  }
0x36: {  	[tilespmem:s9], [sflag:$0x1] =	stream.indirect_vreg.gather [hbm4b:s1+s3], $0x80, v4, vm0, $0xb8;
	[tilespmem:$0x14100] =	vst v63  }
0x37: {  	s10 =	simm.s32 $0x2880  }
0x38: {  	[tilespmem:s10], [sflag:$0x1] =	stream.indirect_vreg.gather [hbm4b:s4+s3], $0x80, v4, vm0, $0xb8;
	[tilespmem:$0x14100] =	vst v63  }
0x39: {  	s11 =	simm.s32 $0x3080  }
0x3a: {  	[tilespmem:s11], [sflag:$0x1] =	stream.indirect_vreg.gather [hbm4b:s1+s3], $0x80, v3, vm0, $0xb8;
	[tilespmem:$0x14100] =	vst v63  }
0x3b: {  	s15 =	simm.s32 $0x3880  }
0x3c: {  	[tilespmem:s15], [sflag:$0x1] =	stream.indirect_vreg.gather [hbm4b:s4+s3], $0x80, v3, vm0, $0xb8;
	[tilespmem:$0x14100] =	vst v63  }
0x3d: {  	v3 =	vld [tilespmem:$0x20];
	_ =	sdelay $0x4  }
0x3e: {  	v32 =	vshll.u32 v3, $0x2  }
0x3f: {  	v3 =	vand.u32 $0x7, v3;
	v4 =	vand.u32 $0xFFFFFFE0, v32  }
0x40: {  	v3 =	vor.u32 v3, v4  }
0x41: {  	v4 =	vperm.xlane v3, v0;
	_ =	sdelay $0x1  }
0x42: {  	v4 =	vadd.s32 v1, v4;
	_ =	sdelay $0x1  }
0x43: {  	v3 =	vperm.xlane v3, v2;
	_ =	sdelay $0x1  }
0x44: {  	s16 =	simm.s32 $0x4080;
	v3 =	vadd.s32 v1, v3  }
0x45: {  	[tilespmem:s16], [sflag:$0x1] =	stream.indirect_vreg.gather [hbm4b:s1+s3], $0x80, v4, vm0, $0xb8;
	[tilespmem:$0x14100] =	vst v63  }
0x46: {  	s19 =	simm.s32 $0x4880  }
0x47: {  	[tilespmem:s19], [sflag:$0x1] =	stream.indirect_vreg.gather [hbm4b:s4+s3], $0x80, v4, vm0, $0xb8;
	[tilespmem:$0x14100] =	vst v63  }
0x48: {  	s20 =	simm.s32 $0x5080  }
0x49: {  	[tilespmem:s20], [sflag:$0x1] =	stream.indirect_vreg.gather [hbm4b:s1+s3], $0x80, v3, vm0, $0xb8;
	[tilespmem:$0x14100] =	vst v63  }
0x4a: {  	s22 =	simm.s32 $0x5880  }
0x4b: {  	[tilespmem:s22], [sflag:$0x1] =	stream.indirect_vreg.gather [hbm4b:s4+s3], $0x80, v3, vm0, $0xb8;
	[tilespmem:$0x14100] =	vst v63  }
0x4c: {  	v3 =	vld [tilespmem:$0x30];
	_ =	sdelay $0x4  }
0x4d: {  	v33 =	vshll.u32 v3, $0x2  }
0x4e: {  	v3 =	vand.u32 $0x7, v3;
	v4 =	vand.u32 $0xFFFFFFE0, v33  }
0x4f: {  	v3 =	vor.u32 v3, v4  }
0x50: {  	v4 =	vperm.xlane v3, v0;
	_ =	sdelay $0x1  }
0x51: {  	v4 =	vadd.s32 v1, v4;
	_ =	sdelay $0x1  }
0x52: {  	v3 =	vperm.xlane v3, v2;
	_ =	sdelay $0x1  }
0x53: {  	s25 =	simm.s32 $0x6080;
	v3 =	vadd.s32 v1, v3  }
0x54: {  	[tilespmem:s25], [sflag:$0x1] =	stream.indirect_vreg.gather [hbm4b:s1+s3], $0x80, v4, vm0, $0xb8;
	[tilespmem:$0x14100] =	vst v63  }
0x55: {  	s26 =	simm.s32 $0x6880  }
0x56: {  	[tilespmem:s26], [sflag:$0x1] =	stream.indirect_vreg.gather [hbm4b:s4+s3], $0x80, v4, vm0, $0xb8;
	[tilespmem:$0x14100] =	vst v63  }
0x57: {  	s28 =	simm.s32 $0x7080  }
0x58: {  	[tilespmem:s28], [sflag:$0x1] =	stream.indirect_vreg.gather [hbm4b:s1+s3], $0x80, v3, vm0, $0xb8;
	[tilespmem:$0x14100] =	vst v63  }
0x59: {  	s29 =	simm.s32 $0x7880  }
0x5a: {  	[tilespmem:s29], [sflag:$0x1] =	stream.indirect_vreg.gather [hbm4b:s4+s3], $0x80, v3, vm0, $0xb8;
	[tilespmem:$0x14100] =	vst v63  }
0x5b: {  	v3 =	vld [tilespmem:$0x40];
	_ =	sdelay $0x4  }
0x5c: {  	v34 =	vshll.u32 v3, $0x2  }
0x5d: {  	v3 =	vand.u32 $0x7, v3;
	v4 =	vand.u32 $0xFFFFFFE0, v34  }
0x5e: {  	v3 =	vor.u32 v3, v4  }
0x5f: {  	v4 =	vperm.xlane v3, v0;
	_ =	sdelay $0x1  }
0x60: {  	v4 =	vadd.s32 v1, v4;
	_ =	sdelay $0x1  }
0x61: {  	v3 =	vperm.xlane v3, v2;
	_ =	sdelay $0x1  }
0x62: {  	s30 =	simm.s32 $0x8080;
	v3 =	vadd.s32 v1, v3  }
0x63: {  	[tilespmem:s30], [sflag:$0x1] =	stream.indirect_vreg.gather [hbm4b:s1+s3], $0x80, v4, vm0, $0xb8;
	[tilespmem:$0x14100] =	vst v63  }
0x64: {  	s31 =	simm.s32 $0x8880  }
0x65: {  	[tilespmem:s31], [sflag:$0x1] =	stream.indirect_vreg.gather [hbm4b:s4+s3], $0x80, v4, vm0, $0xb8;
	[tilespmem:$0x14100] =	vst v63  }
0x66: {  	s7 =	simm.s32 $0x9080  }
0x67: {  	[tilespmem:s7], [sflag:$0x1] =	stream.indirect_vreg.gather [hbm4b:s1+s3], $0x80, v3, vm0, $0xb8;
	[tilespmem:$0x14100] =	vst v63  }
0x68: {  	s8 =	simm.s32 $0x9880  }
0x69: {  	[tilespmem:s8], [sflag:$0x1] =	stream.indirect_vreg.gather [hbm4b:s4+s3], $0x80, v3, vm0, $0xb8;
	[tilespmem:$0x14100] =	vst v63  }
0x6a: {  	v3 =	vld [tilespmem:$0x50];
	_ =	sdelay $0x4  }
0x6b: {  	v35 =	vshll.u32 v3, $0x2  }
0x6c: {  	v3 =	vand.u32 $0x7, v3;
	v4 =	vand.u32 $0xFFFFFFE0, v35  }
0x6d: {  	v3 =	vor.u32 v3, v4  }
0x6e: {  	v4 =	vperm.xlane v3, v0;
	_ =	sdelay $0x1  }
0x6f: {  	v4 =	vadd.s32 v1, v4;
	_ =	sdelay $0x1  }
0x70: {  	v3 =	vperm.xlane v3, v2;
	_ =	sdelay $0x1  }
0x71: {  	s9 =	simm.s32 $0xA080;
	v3 =	vadd.s32 v1, v3  }
0x72: {  	[tilespmem:s9], [sflag:$0x1] =	stream.indirect_vreg.gather [hbm4b:s1+s3], $0x80, v4, vm0, $0xb8;
	[tilespmem:$0x14100] =	vst v63  }
0x73: {  	s10 =	simm.s32 $0xA880  }
0x74: {  	[tilespmem:s10], [sflag:$0x1] =	stream.indirect_vreg.gather [hbm4b:s4+s3], $0x80, v4, vm0, $0xb8;
	[tilespmem:$0x14100] =	vst v63  }
0x75: {  	s15 =	simm.s32 $0xB080  }
0x76: {  	[tilespmem:s15], [sflag:$0x1] =	stream.indirect_vreg.gather [hbm4b:s1+s3], $0x80, v3, vm0, $0xb8;
	[tilespmem:$0x14100] =	vst v63  }
0x77: {  	s16 =	simm.s32 $0xB880  }
0x78: {  	[tilespmem:s16], [sflag:$0x1] =	stream.indirect_vreg.gather [hbm4b:s4+s3], $0x80, v3, vm0, $0xb8;
	[tilespmem:$0x14100] =	vst v63  }
0x79: {  	v3 =	vld [tilespmem:$0x60];
	_ =	sdelay $0x4  }
0x7a: {  	v36 =	vshll.u32 v3, $0x2  }
0x7b: {  	v3 =	vand.u32 $0x7, v3;
	v4 =	vand.u32 $0xFFFFFFE0, v36  }
0x7c: {  	v3 =	vor.u32 v3, v4  }
0x7d: {  	v4 =	vperm.xlane v3, v0;
	_ =	sdelay $0x1  }
0x7e: {  	v4 =	vadd.s32 v1, v4;
	_ =	sdelay $0x1  }
0x7f: {  	v3 =	vperm.xlane v3, v2;
	_ =	sdelay $0x1  }
0x80: {  	s19 =	simm.s32 $0xC080;
	v3 =	vadd.s32 v1, v3  }
0x81: {  	[tilespmem:s19], [sflag:$0x1] =	stream.indirect_vreg.gather [hbm4b:s1+s3], $0x80, v4, vm0, $0xb8;
	[tilespmem:$0x14100] =	vst v63  }
0x82: {  	s20 =	simm.s32 $0xC880  }
0x83: {  	[tilespmem:s20], [sflag:$0x1] =	stream.indirect_vreg.gather [hbm4b:s4+s3], $0x80, v4, vm0, $0xb8;
	[tilespmem:$0x14100] =	vst v63  }
0x84: {  	s25 =	simm.s32 $0xD080  }
0x85: {  	[tilespmem:s25], [sflag:$0x1] =	stream.indirect_vreg.gather [hbm4b:s1+s3], $0x80, v3, vm0, $0xb8;
	[tilespmem:$0x14100] =	vst v63  }
0x86: {  	s26 =	simm.s32 $0xD880  }
0x87: {  	[tilespmem:s26], [sflag:$0x1] =	stream.indirect_vreg.gather [hbm4b:s4+s3], $0x80, v3, vm0, $0xb8;
	[tilespmem:$0x14100] =	vst v63  }
0x88: {  	v3 =	vld [tilespmem:$0x70];
	_ =	sdelay $0x4  }
0x89: {  	v37 =	vshll.u32 v3, $0x2  }
0x8a: {  	v3 =	vand.u32 $0x7, v3;
	v4 =	vand.u32 $0xFFFFFFE0, v37  }
0x8b: {  	v3 =	vor.u32 v3, v4  }
0x8c: {  	v4 =	vperm.xlane v3, v0;
	_ =	sdelay $0x1  }
0x8d: {  	v4 =	vadd.s32 v1, v4;
	_ =	sdelay $0x1  }
0x8e: {  	v3 =	vperm.xlane v3, v2;
	_ =	sdelay $0x1  }
0x8f: {  	s28 =	simm.s32 $0xE080;
	v3 =	vadd.s32 v1, v3  }
0x90: {  	[tilespmem:s28], [sflag:$0x1] =	stream.indirect_vreg.gather [hbm4b:s1+s3], $0x80, v4, vm0, $0xb8;
	[tilespmem:$0x14100] =	vst v63  }
0x91: {  	s29 =	simm.s32 $0xE880  }
0x92: {  	[tilespmem:s29], [sflag:$0x1] =	stream.indirect_vreg.gather [hbm4b:s4+s3], $0x80, v4, vm0, $0xb8;
	[tilespmem:$0x14100] =	vst v63  }
0x93: {  	s30 =	simm.s32 $0xF080  }
0x94: {  	[tilespmem:s30], [sflag:$0x1] =	stream.indirect_vreg.gather [hbm4b:s1+s3], $0x80, v3, vm0, $0xb8;
	[tilespmem:$0x14100] =	vst v63  }
0x95: {  	s31 =	simm.s32 $0xF880  }
0x96: {  	[tilespmem:s31], [sflag:$0x1] =	stream.indirect_vreg.gather [hbm4b:s4+s3], $0x80, v3, vm0, $0xb8;
	[tilespmem:$0x14100] =	vst v63  }
0x97: {  	_ =	swait.ge [sflag:s14], $0x10000  }
0x98: {  	[sflag:s14] =	ssyncset.done $0x0  }
0x99: {  	s10 =	rddreg [dreg:$0x5];
	[sflag:s14] =	ssyncadd.s32 $0xFFFF0000  }
0x9a: {  	[hbm4b:s10+s3] =	stream.linear.scatter [tilespmem:s2], [sflag:$0x2], $0x10000, $0x38;
	[tilespmem:$0x14100] =	vst v63  }
0x9b: {  	_ =	swait.ge [sflag:s6], $0x10000  }
0x9c: {  	[sflag:s6] =	ssyncset.done $0x0  }
0x9d: {  	s16 =	rddreg [dreg:$0x6];
	[sflag:s6] =	ssyncadd.s32 $0xFFFF0000  }
0x9e: {  	[tilespmem:s3], [sflag:$0x2] =	stream.linear.gather [hbm4b:s16+s3], $0x80, $0x38;
	[tilespmem:$0x14100] =	vst v63  }
0x9f: {  	_ =	swait.ge [sflag:s6], $0x80  }
0xa0: {  	[sflag:s6] =	ssyncset.done $0x0  }
0xa1: {  	[sflag:s6] =	ssyncadd.s32 $0xFFFFFF80  }
0xa2: {  	v3 =	vld [tilespmem:$0x0];
	_ =	sdelay $0x4  }
0xa3: {  	v38 =	vshll.u32 v3, $0x2  }
0xa4: {  	v3 =	vand.u32 $0x7, v3;
	v4 =	vand.u32 $0xFFFFFFE0, v38  }
0xa5: {  	v3 =	vor.u32 v3, v4  }
0xa6: {  	v4 =	vperm.xlane v3, v0;
	_ =	sdelay $0x1  }
0xa7: {  	v4 =	vadd.s32 v1, v4;
	_ =	sdelay $0x1  }
0xa8: {  	v3 =	vperm.xlane v3, v2;
	_ =	sdelay $0x1  }
0xa9: {  	v3 =	vadd.s32 v1, v3  }
0xaa: {  	[tilespmem:s2], [sflag:$0x1] =	stream.indirect_vreg.gather [hbm4b:s1+s3], $0x80, v4, vm0, $0xb8;
	[tilespmem:$0x14100] =	vst v63  }
0xab: {  	s23 =	simm.s32 $0x880  }
0xac: {  	[tilespmem:s23], [sflag:$0x1] =	stream.indirect_vreg.gather [hbm4b:s4+s3], $0x80, v4, vm0, $0xb8;
	[tilespmem:$0x14100] =	vst v63  }
0xad: {  	s12 =	simm.s32 $0x1080  }
0xae: {  	[tilespmem:s12], [sflag:$0x1] =	stream.indirect_vreg.gather [hbm4b:s1+s3], $0x80, v3, vm0, $0xb8;
	[tilespmem:$0x14100] =	vst v63  }
0xaf: {  	s23 =	simm.s32 $0x1880  }
0xb0: {  	[tilespmem:s23], [sflag:$0x1] =	stream.indirect_vreg.gather [hbm4b:s4+s3], $0x80, v3, vm0, $0xb8;
	[tilespmem:$0x14100] =	vst v63  }
0xb1: {  	v3 =	vld [tilespmem:$0x10];
	_ =	sdelay $0x4  }
0xb2: {  	v39 =	vshll.u32 v3, $0x2  }
0xb3: {  	v3 =	vand.u32 $0x7, v3;
	v4 =	vand.u32 $0xFFFFFFE0, v39  }
0xb4: {  	v3 =	vor.u32 v3, v4  }
0xb5: {  	v4 =	vperm.xlane v3, v0;
	_ =	sdelay $0x1  }
0xb6: {  	v4 =	vadd.s32 v1, v4;
	_ =	sdelay $0x1  }
0xb7: {  	v3 =	vperm.xlane v3, v2;
	_ =	sdelay $0x1  }
0xb8: {  	s13 =	simm.s32 $0x2080;
	v3 =	vadd.s32 v1, v3  }
0xb9: {  	[tilespmem:s13], [sflag:$0x1] =	stream.indirect_vreg.gather [hbm4b:s1+s3], $0x80, v4, vm0, $0xb8;
	[tilespmem:$0x14100] =	vst v63  }
0xba: {  	s17 =	simm.s32 $0x2880  }
0xbb: {  	[tilespmem:s17], [sflag:$0x1] =	stream.indirect_vreg.gather [hbm4b:s4+s3], $0x80, v4, vm0, $0xb8;
	[tilespmem:$0x14100] =	vst v63  }
0xbc: {  	s18 =	simm.s32 $0x3080  }
0xbd: {  	[tilespmem:s18], [sflag:$0x1] =	stream.indirect_vreg.gather [hbm4b:s1+s3], $0x80, v3, vm0, $0xb8;
	[tilespmem:$0x14100] =	vst v63  }
0xbe: {  	s24 =	simm.s32 $0x3880  }
0xbf: {  	[tilespmem:s24], [sflag:$0x1] =	stream.indirect_vreg.gather [hbm4b:s4+s3], $0x80, v3, vm0, $0xb8;
	[tilespmem:$0x14100] =	vst v63  }
0xc0: {  	v3 =	vld [tilespmem:$0x20];
	_ =	sdelay $0x4  }
0xc1: {  	v40 =	vshll.u32 v3, $0x2  }
0xc2: {  	v3 =	vand.u32 $0x7, v3;
	v4 =	vand.u32 $0xFFFFFFE0, v40  }
0xc3: {  	v3 =	vor.u32 v3, v4  }
0xc4: {  	v4 =	vperm.xlane v3, v0;
	_ =	sdelay $0x1  }
0xc5: {  	v4 =	vadd.s32 v1, v4;
	_ =	sdelay $0x1  }
0xc6: {  	v3 =	vperm.xlane v3, v2;
	_ =	sdelay $0x1  }
0xc7: {  	s21 =	simm.s32 $0x4080;
	v3 =	vadd.s32 v1, v3  }
0xc8: {  	[tilespmem:s21], [sflag:$0x1] =	stream.indirect_vreg.gather [hbm4b:s1+s3], $0x80, v4, vm0, $0xb8;
	[tilespmem:$0x14100] =	vst v63  }
0xc9: {  	s24 =	simm.s32 $0x4880  }
0xca: {  	[tilespmem:s24], [sflag:$0x1] =	stream.indirect_vreg.gather [hbm4b:s4+s3], $0x80, v4, vm0, $0xb8;
	[tilespmem:$0x14100] =	vst v63  }
0xcb: {  	s25 =	simm.s32 $0x5080  }
0xcc: {  	[tilespmem:s25], [sflag:$0x1] =	stream.indirect_vreg.gather [hbm4b:s1+s3], $0x80, v3, vm0, $0xb8;
	[tilespmem:$0x14100] =	vst v63  }
0xcd: {  	s26 =	simm.s32 $0x5880  }
0xce: {  	[tilespmem:s26], [sflag:$0x1] =	stream.indirect_vreg.gather [hbm4b:s4+s3], $0x80, v3, vm0, $0xb8;
	[tilespmem:$0x14100] =	vst v63  }
0xcf: {  	v3 =	vld [tilespmem:$0x30];
	_ =	sdelay $0x4  }
0xd0: {  	v41 =	vshll.u32 v3, $0x2  }
0xd1: {  	v3 =	vand.u32 $0x7, v3;
	v4 =	vand.u32 $0xFFFFFFE0, v41  }
0xd2: {  	v3 =	vor.u32 v3, v4  }
0xd3: {  	v4 =	vperm.xlane v3, v0;
	_ =	sdelay $0x1  }
0xd4: {  	v4 =	vadd.s32 v1, v4;
	_ =	sdelay $0x1  }
0xd5: {  	v3 =	vperm.xlane v3, v2;
	_ =	sdelay $0x1  }
0xd6: {  	s28 =	simm.s32 $0x6080;
	v3 =	vadd.s32 v1, v3  }
0xd7: {  	[tilespmem:s28], [sflag:$0x1] =	stream.indirect_vreg.gather [hbm4b:s1+s3], $0x80, v4, vm0, $0xb8;
	[tilespmem:$0x14100] =	vst v63  }
0xd8: {  	s29 =	simm.s32 $0x6880  }
0xd9: {  	[tilespmem:s29], [sflag:$0x1] =	stream.indirect_vreg.gather [hbm4b:s4+s3], $0x80, v4, vm0, $0xb8;
	[tilespmem:$0x14100] =	vst v63  }
0xda: {  	s30 =	simm.s32 $0x7080  }
0xdb: {  	[tilespmem:s30], [sflag:$0x1] =	stream.indirect_vreg.gather [hbm4b:s1+s3], $0x80, v3, vm0, $0xb8;
	[tilespmem:$0x14100] =	vst v63  }
0xdc: {  	s31 =	simm.s32 $0x7880  }
0xdd: {  	[tilespmem:s31], [sflag:$0x1] =	stream.indirect_vreg.gather [hbm4b:s4+s3], $0x80, v3, vm0, $0xb8;
	[tilespmem:$0x14100] =	vst v63  }
0xde: {  	v3 =	vld [tilespmem:$0x40];
	_ =	sdelay $0x4  }
0xdf: {  	v42 =	vshll.u32 v3, $0x2  }
0xe0: {  	v3 =	vand.u32 $0x7, v3;
	v4 =	vand.u32 $0xFFFFFFE0, v42  }
0xe1: {  	v3 =	vor.u32 v3, v4  }
0xe2: {  	v4 =	vperm.xlane v3, v0;
	_ =	sdelay $0x1  }
0xe3: {  	v4 =	vadd.s32 v1, v4;
	_ =	sdelay $0x1  }
0xe4: {  	v3 =	vperm.xlane v3, v2;
	_ =	sdelay $0x1  }
0xe5: {  	s11 =	simm.s32 $0x8080;
	v3 =	vadd.s32 v1, v3  }
0xe6: {  	[tilespmem:s11], [sflag:$0x1] =	stream.indirect_vreg.gather [hbm4b:s1+s3], $0x80, v4, vm0, $0xb8;
	[tilespmem:$0x14100] =	vst v63  }
0xe7: {  	s11 =	simm.s32 $0x8880  }
0xe8: {  	[tilespmem:s11], [sflag:$0x1] =	stream.indirect_vreg.gather [hbm4b:s4+s3], $0x80, v4, vm0, $0xb8;
	[tilespmem:$0x14100] =	vst v63  }
0xe9: {  	s12 =	simm.s32 $0x9080  }
0xea: {  	[tilespmem:s12], [sflag:$0x1] =	stream.indirect_vreg.gather [hbm4b:s1+s3], $0x80, v3, vm0, $0xb8;
	[tilespmem:$0x14100] =	vst v63  }
0xeb: {  	s21 =	simm.s32 $0x9880  }
0xec: {  	[tilespmem:s21], [sflag:$0x1] =	stream.indirect_vreg.gather [hbm4b:s4+s3], $0x80, v3, vm0, $0xb8;
	[tilespmem:$0x14100] =	vst v63  }
0xed: {  	v3 =	vld [tilespmem:$0x50];
	_ =	sdelay $0x4  }
0xee: {  	v43 =	vshll.u32 v3, $0x2  }
0xef: {  	v3 =	vand.u32 $0x7, v3;
	v4 =	vand.u32 $0xFFFFFFE0, v43  }
0xf0: {  	v3 =	vor.u32 v3, v4  }
0xf1: {  	v4 =	vperm.xlane v3, v0;
	_ =	sdelay $0x1  }
0xf2: {  	v4 =	vadd.s32 v1, v4;
	_ =	sdelay $0x1  }
0xf3: {  	v3 =	vperm.xlane v3, v2;
	_ =	sdelay $0x1  }
0xf4: {  	s13 =	simm.s32 $0xA080;
	v3 =	vadd.s32 v1, v3  }
0xf5: {  	[tilespmem:s13], [sflag:$0x1] =	stream.indirect_vreg.gather [hbm4b:s1+s3], $0x80, v4, vm0, $0xb8;
	[tilespmem:$0x14100] =	vst v63  }
0xf6: {  	s17 =	simm.s32 $0xA880  }
0xf7: {  	[tilespmem:s17], [sflag:$0x1] =	stream.indirect_vreg.gather [hbm4b:s4+s3], $0x80, v4, vm0, $0xb8;
	[tilespmem:$0x14100] =	vst v63  }
0xf8: {  	s18 =	simm.s32 $0xB080  }
0xf9: {  	[tilespmem:s18], [sflag:$0x1] =	stream.indirect_vreg.gather [hbm4b:s1+s3], $0x80, v3, vm0, $0xb8;
	[tilespmem:$0x14100] =	vst v63  }
0xfa: {  	s22 =	simm.s32 $0xB880  }
0xfb: {  	[tilespmem:s22], [sflag:$0x1] =	stream.indirect_vreg.gather [hbm4b:s4+s3], $0x80, v3, vm0, $0xb8;
	[tilespmem:$0x14100] =	vst v63  }
0xfc: {  	v3 =	vld [tilespmem:$0x60];
	_ =	sdelay $0x4  }
0xfd: {  	v44 =	vshll.u32 v3, $0x2  }
0xfe: {  	v3 =	vand.u32 $0x7, v3;
	v4 =	vand.u32 $0xFFFFFFE0, v44  }
0xff: {  	v3 =	vor.u32 v3, v4  }
0x100: {  	v4 =	vperm.xlane v3, v0;
	_ =	sdelay $0x1  }
0x101: {  	v4 =	vadd.s32 v1, v4;
	_ =	sdelay $0x1  }
0x102: {  	v3 =	vperm.xlane v3, v2;
	_ =	sdelay $0x1  }
0x103: {  	s0 =	simm.s32 $0xC080;
	v3 =	vadd.s32 v1, v3  }
0x104: {  	[tilespmem:s0], [sflag:$0x1] =	stream.indirect_vreg.gather [hbm4b:s1+s3], $0x80, v4, vm0, $0xb8;
	[tilespmem:$0x14100] =	vst v63  }
0x105: {  	s7 =	simm.s32 $0xC880  }
0x106: {  	[tilespmem:s7], [sflag:$0x1] =	stream.indirect_vreg.gather [hbm4b:s4+s3], $0x80, v4, vm0, $0xb8;
	[tilespmem:$0x14100] =	vst v63  }
0x107: {  	s8 =	simm.s32 $0xD080  }
0x108: {  	[tilespmem:s8], [sflag:$0x1] =	stream.indirect_vreg.gather [hbm4b:s1+s3], $0x80, v3, vm0, $0xb8;
	[tilespmem:$0x14100] =	vst v63  }
0x109: {  	s19 =	simm.s32 $0xD880  }
0x10a: {  	[tilespmem:s19], [sflag:$0x1] =	stream.indirect_vreg.gather [hbm4b:s4+s3], $0x80, v3, vm0, $0xb8;
	[tilespmem:$0x14100] =	vst v63  }
0x10b: {  	v3 =	vld [tilespmem:$0x70];
	_ =	sdelay $0x4  }
0x10c: {  	v45 =	vshll.u32 v3, $0x2  }
0x10d: {  	v3 =	vand.u32 $0x7, v3;
	v4 =	vand.u32 $0xFFFFFFE0, v45  }
0x10e: {  	v3 =	vor.u32 v3, v4  }
0x10f: {  	v4 =	vperm.xlane v3, v0;
	_ =	sdelay $0x1  }
0x110: {  	v4 =	vadd.s32 v1, v4;
	_ =	sdelay $0x1  }
0x111: {  	v3 =	vperm.xlane v3, v2;
	_ =	sdelay $0x1  }
0x112: {  	s9 =	simm.s32 $0xE080;
	v3 =	vadd.s32 v1, v3  }
0x113: {  	[tilespmem:s9], [sflag:$0x1] =	stream.indirect_vreg.gather [hbm4b:s1+s3], $0x80, v4, vm0, $0xb8;
	[tilespmem:$0x14100] =	vst v63  }
0x114: {  	s19 =	simm.s32 $0xE880  }
0x115: {  	[tilespmem:s19], [sflag:$0x1] =	stream.indirect_vreg.gather [hbm4b:s4+s3], $0x80, v4, vm0, $0xb8;
	[tilespmem:$0x14100] =	vst v63  }
0x116: {  	s22 =	simm.s32 $0xF080  }
0x117: {  	[tilespmem:s22], [sflag:$0x1] =	stream.indirect_vreg.gather [hbm4b:s1+s3], $0x80, v3, vm0, $0xb8;
	[tilespmem:$0x14100] =	vst v63  }
0x118: {  	s20 =	simm.s32 $0xF880  }
0x119: {  	[tilespmem:s20], [sflag:$0x1] =	stream.indirect_vreg.gather [hbm4b:s4+s3], $0x80, v3, vm0, $0xb8;
	[tilespmem:$0x14100] =	vst v63  }
0x11a: {  	_ =	swait.ge [sflag:s14], $0x10000  }
0x11b: {  	[sflag:s14] =	ssyncset.done $0x0  }
0x11c: {  	s22 =	rddreg [dreg:$0x7];
	[sflag:s14] =	ssyncadd.s32 $0xFFFF0000  }
0x11d: {  	[hbm4b:s22+s3] =	stream.linear.scatter [tilespmem:s2], [sflag:$0x2], $0x10000, $0x38;
	[tilespmem:$0x14100] =	vst v63  }
0x11e: {  	_ =	swait.ge [sflag:s6], $0x10000  }
0x11f: {  	[sflag:s6] =	ssyncset.done $0x0  }
0x120: {  	s20 =	rddreg [dreg:$0x8];
	[sflag:s6] =	ssyncadd.s32 $0xFFFF0000  }
0x121: {  	[tilespmem:s3], [sflag:$0x2] =	stream.linear.gather [hbm4b:s20+s3], $0x80, $0x38;
	[tilespmem:$0x14100] =	vst v63  }
0x122: {  	_ =	swait.ge [sflag:s6], $0x80  }
0x123: {  	[sflag:s6] =	ssyncset.done $0x0  }
0x124: {  	[sflag:s6] =	ssyncadd.s32 $0xFFFFFF80  }
0x125: {  	v3 =	vld [tilespmem:$0x0];
	_ =	sdelay $0x4  }
0x126: {  	v46 =	vshll.u32 v3, $0x2  }
0x127: {  	v3 =	vand.u32 $0x7, v3;
	v4 =	vand.u32 $0xFFFFFFE0, v46  }
0x128: {  	v3 =	vor.u32 v3, v4  }
0x129: {  	v4 =	vperm.xlane v3, v0;
	_ =	sdelay $0x1  }
0x12a: {  	v4 =	vadd.s32 v1, v4;
	_ =	sdelay $0x1  }
0x12b: {  	v3 =	vperm.xlane v3, v2;
	_ =	sdelay $0x1  }
0x12c: {  	v3 =	vadd.s32 v1, v3  }
0x12d: {  	[tilespmem:s2], [sflag:$0x1] =	stream.indirect_vreg.gather [hbm4b:s1+s3], $0x80, v4, vm0, $0xb8;
	[tilespmem:$0x14100] =	vst v63  }
0x12e: {  	s22 =	simm.s32 $0x880  }
0x12f: {  	[tilespmem:s22], [sflag:$0x1] =	stream.indirect_vreg.gather [hbm4b:s4+s3], $0x80, v4, vm0, $0xb8;
	[tilespmem:$0x14100] =	vst v63  }
0x130: {  	s10 =	simm.s32 $0x1080  }
0x131: {  	[tilespmem:s10], [sflag:$0x1] =	stream.indirect_vreg.gather [hbm4b:s1+s3], $0x80, v3, vm0, $0xb8;
	[tilespmem:$0x14100] =	vst v63  }
0x132: {  	_ = 	snop  }
0x133: {  	[tilespmem:s23], [sflag:$0x1] =	stream.indirect_vreg.gather [hbm4b:s4+s3], $0x80, v3, vm0, $0xb8;
	[tilespmem:$0x14100] =	vst v63  }
0x134: {  	v3 =	vld [tilespmem:$0x10];
	_ =	sdelay $0x4  }
0x135: {  	v47 =	vshll.u32 v3, $0x2  }
0x136: {  	v3 =	vand.u32 $0x7, v3;
	v4 =	vand.u32 $0xFFFFFFE0, v47  }
0x137: {  	v3 =	vor.u32 v3, v4  }
0x138: {  	v4 =	vperm.xlane v3, v0;
	_ =	sdelay $0x1  }
0x139: {  	v4 =	vadd.s32 v1, v4;
	_ =	sdelay $0x1  }
0x13a: {  	v3 =	vperm.xlane v3, v2;
	_ =	sdelay $0x1  }
0x13b: {  	s16 =	simm.s32 $0x2080;
	v3 =	vadd.s32 v1, v3  }
0x13c: {  	[tilespmem:s16], [sflag:$0x1] =	stream.indirect_vreg.gather [hbm4b:s1+s3], $0x80, v4, vm0, $0xb8;
	[tilespmem:$0x14100] =	vst v63  }
0x13d: {  	s20 =	simm.s32 $0x2880  }
0x13e: {  	[tilespmem:s20], [sflag:$0x1] =	stream.indirect_vreg.gather [hbm4b:s4+s3], $0x80, v4, vm0, $0xb8;
	[tilespmem:$0x14100] =	vst v63  }
0x13f: {  	s23 =	simm.s32 $0x3080  }
0x140: {  	[tilespmem:s23], [sflag:$0x1] =	stream.indirect_vreg.gather [hbm4b:s1+s3], $0x80, v3, vm0, $0xb8;
	[tilespmem:$0x14100] =	vst v63  }
0x141: {  	s15 =	simm.s32 $0x3880  }
0x142: {  	[tilespmem:s15], [sflag:$0x1] =	stream.indirect_vreg.gather [hbm4b:s4+s3], $0x80, v3, vm0, $0xb8;
	[tilespmem:$0x14100] =	vst v63  }
0x143: {  	v3 =	vld [tilespmem:$0x20];
	_ =	sdelay $0x4  }
0x144: {  	v48 =	vshll.u32 v3, $0x2  }
0x145: {  	v3 =	vand.u32 $0x7, v3;
	v4 =	vand.u32 $0xFFFFFFE0, v48  }
0x146: {  	v3 =	vor.u32 v3, v4  }
0x147: {  	v4 =	vperm.xlane v3, v0;
	_ =	sdelay $0x1  }
0x148: {  	v4 =	vadd.s32 v1, v4;
	_ =	sdelay $0x1  }
0x149: {  	v3 =	vperm.xlane v3, v2;
	_ =	sdelay $0x1  }
0x14a: {  	s16 =	simm.s32 $0x4080;
	v3 =	vadd.s32 v1, v3  }
0x14b: {  	[tilespmem:s16], [sflag:$0x1] =	stream.indirect_vreg.gather [hbm4b:s1+s3], $0x80, v4, vm0, $0xb8;
	[tilespmem:$0x14100] =	vst v63  }
0x14c: {  	_ = 	snop  }
0x14d: {  	[tilespmem:s24], [sflag:$0x1] =	stream.indirect_vreg.gather [hbm4b:s4+s3], $0x80, v4, vm0, $0xb8;
	[tilespmem:$0x14100] =	vst v63  }
0x14e: {  	_ = 	snop  }
0x14f: {  	[tilespmem:s25], [sflag:$0x1] =	stream.indirect_vreg.gather [hbm4b:s1+s3], $0x80, v3, vm0, $0xb8;
	[tilespmem:$0x14100] =	vst v63  }
0x150: {  	_ = 	snop  }
0x151: {  	[tilespmem:s26], [sflag:$0x1] =	stream.indirect_vreg.gather [hbm4b:s4+s3], $0x80, v3, vm0, $0xb8;
	[tilespmem:$0x14100] =	vst v63  }
0x152: {  	v3 =	vld [tilespmem:$0x30];
	_ =	sdelay $0x4  }
0x153: {  	v49 =	vshll.u32 v3, $0x2  }
0x154: {  	v3 =	vand.u32 $0x7, v3;
	v4 =	vand.u32 $0xFFFFFFE0, v49  }
0x155: {  	v3 =	vor.u32 v3, v4  }
0x156: {  	v4 =	vperm.xlane v3, v0;
	_ =	sdelay $0x1  }
0x157: {  	v4 =	vadd.s32 v1, v4;
	_ =	sdelay $0x1  }
0x158: {  	v3 =	vperm.xlane v3, v2;
	_ =	sdelay $0x1  }
0x159: {  	v3 =	vadd.s32 v1, v3  }
0x15a: {  	[tilespmem:s28], [sflag:$0x1] =	stream.indirect_vreg.gather [hbm4b:s1+s3], $0x80, v4, vm0, $0xb8;
	[tilespmem:$0x14100] =	vst v63  }
0x15b: {  	_ = 	snop  }
0x15c: {  	[tilespmem:s29], [sflag:$0x1] =	stream.indirect_vreg.gather [hbm4b:s4+s3], $0x80, v4, vm0, $0xb8;
	[tilespmem:$0x14100] =	vst v63  }
0x15d: {  	_ = 	snop  }
0x15e: {  	[tilespmem:s30], [sflag:$0x1] =	stream.indirect_vreg.gather [hbm4b:s1+s3], $0x80, v3, vm0, $0xb8;
	[tilespmem:$0x14100] =	vst v63  }
0x15f: {  	_ = 	snop  }
0x160: {  	[tilespmem:s31], [sflag:$0x1] =	stream.indirect_vreg.gather [hbm4b:s4+s3], $0x80, v3, vm0, $0xb8;
	[tilespmem:$0x14100] =	vst v63  }
0x161: {  	v3 =	vld [tilespmem:$0x40];
	_ =	sdelay $0x4  }
0x162: {  	v50 =	vshll.u32 v3, $0x2  }
0x163: {  	v3 =	vand.u32 $0x7, v3;
	v4 =	vand.u32 $0xFFFFFFE0, v50  }
0x164: {  	v3 =	vor.u32 v3, v4  }
0x165: {  	v4 =	vperm.xlane v3, v0;
	_ =	sdelay $0x1  }
0x166: {  	v4 =	vadd.s32 v1, v4;
	_ =	sdelay $0x1  }
0x167: {  	v3 =	vperm.xlane v3, v2;
	_ =	sdelay $0x1  }
0x168: {  	s20 =	simm.s32 $0x8080;
	v3 =	vadd.s32 v1, v3  }
0x169: {  	[tilespmem:s20], [sflag:$0x1] =	stream.indirect_vreg.gather [hbm4b:s1+s3], $0x80, v4, vm0, $0xb8;
	[tilespmem:$0x14100] =	vst v63  }
0x16a: {  	_ = 	snop  }
0x16b: {  	[tilespmem:s11], [sflag:$0x1] =	stream.indirect_vreg.gather [hbm4b:s4+s3], $0x80, v4, vm0, $0xb8;
	[tilespmem:$0x14100] =	vst v63  }
0x16c: {  	_ = 	snop  }
0x16d: {  	[tilespmem:s12], [sflag:$0x1] =	stream.indirect_vreg.gather [hbm4b:s1+s3], $0x80, v3, vm0, $0xb8;
	[tilespmem:$0x14100] =	vst v63  }
0x16e: {  	_ = 	snop  }
0x16f: {  	[tilespmem:s21], [sflag:$0x1] =	stream.indirect_vreg.gather [hbm4b:s4+s3], $0x80, v3, vm0, $0xb8;
	[tilespmem:$0x14100] =	vst v63  }
0x170: {  	v3 =	vld [tilespmem:$0x50];
	_ =	sdelay $0x4  }
0x171: {  	v51 =	vshll.u32 v3, $0x2  }
0x172: {  	v3 =	vand.u32 $0x7, v3;
	v4 =	vand.u32 $0xFFFFFFE0, v51  }
0x173: {  	v3 =	vor.u32 v3, v4  }
0x174: {  	v4 =	vperm.xlane v3, v0;
	_ =	sdelay $0x1  }
0x175: {  	v4 =	vadd.s32 v1, v4;
	_ =	sdelay $0x1  }
0x176: {  	v3 =	vperm.xlane v3, v2;
	_ =	sdelay $0x1  }
0x177: {  	v3 =	vadd.s32 v1, v3  }
0x178: {  	[tilespmem:s13], [sflag:$0x1] =	stream.indirect_vreg.gather [hbm4b:s1+s3], $0x80, v4, vm0, $0xb8;
	[tilespmem:$0x14100] =	vst v63  }
0x179: {  	_ = 	snop  }
0x17a: {  	[tilespmem:s17], [sflag:$0x1] =	stream.indirect_vreg.gather [hbm4b:s4+s3], $0x80, v4, vm0, $0xb8;
	[tilespmem:$0x14100] =	vst v63  }
0x17b: {  	_ = 	snop  }
0x17c: {  	[tilespmem:s18], [sflag:$0x1] =	stream.indirect_vreg.gather [hbm4b:s1+s3], $0x80, v3, vm0, $0xb8;
	[tilespmem:$0x14100] =	vst v63  }
0x17d: {  	s31 =	simm.s32 $0xB880  }
0x17e: {  	[tilespmem:s31], [sflag:$0x1] =	stream.indirect_vreg.gather [hbm4b:s4+s3], $0x80, v3, vm0, $0xb8;
	[tilespmem:$0x14100] =	vst v63  }
0x17f: {  	v3 =	vld [tilespmem:$0x60];
	_ =	sdelay $0x4  }
0x180: {  	v52 =	vshll.u32 v3, $0x2  }
0x181: {  	v3 =	vand.u32 $0x7, v3;
	v4 =	vand.u32 $0xFFFFFFE0, v52  }
0x182: {  	v3 =	vor.u32 v3, v4  }
0x183: {  	v4 =	vperm.xlane v3, v0;
	_ =	sdelay $0x1  }
0x184: {  	v4 =	vadd.s32 v1, v4;
	_ =	sdelay $0x1  }
0x185: {  	v3 =	vperm.xlane v3, v2;
	_ =	sdelay $0x1  }
0x186: {  	s0 =	simm.s32 $0xC080;
	v3 =	vadd.s32 v1, v3  }
0x187: {  	[tilespmem:s0], [sflag:$0x1] =	stream.indirect_vreg.gather [hbm4b:s1+s3], $0x80, v4, vm0, $0xb8;
	[tilespmem:$0x14100] =	vst v63  }
0x188: {  	s7 =	simm.s32 $0xC880  }
0x189: {  	[tilespmem:s7], [sflag:$0x1] =	stream.indirect_vreg.gather [hbm4b:s4+s3], $0x80, v4, vm0, $0xb8;
	[tilespmem:$0x14100] =	vst v63  }
0x18a: {  	s8 =	simm.s32 $0xD080  }
0x18b: {  	[tilespmem:s8], [sflag:$0x1] =	stream.indirect_vreg.gather [hbm4b:s1+s3], $0x80, v3, vm0, $0xb8;
	[tilespmem:$0x14100] =	vst v63  }
0x18c: {  	s15 =	simm.s32 $0xD880  }
0x18d: {  	[tilespmem:s15], [sflag:$0x1] =	stream.indirect_vreg.gather [hbm4b:s4+s3], $0x80, v3, vm0, $0xb8;
	[tilespmem:$0x14100] =	vst v63  }
0x18e: {  	v3 =	vld [tilespmem:$0x70];
	_ =	sdelay $0x4  }
0x18f: {  	v53 =	vshll.u32 v3, $0x2  }
0x190: {  	v3 =	vand.u32 $0x7, v3;
	v4 =	vand.u32 $0xFFFFFFE0, v53  }
0x191: {  	v3 =	vor.u32 v3, v4  }
0x192: {  	v4 =	vperm.xlane v3, v0;
	_ =	sdelay $0x1  }
0x193: {  	v4 =	vadd.s32 v1, v4;
	_ =	sdelay $0x1  }
0x194: {  	v3 =	vperm.xlane v3, v2;
	_ =	sdelay $0x1  }
0x195: {  	s9 =	simm.s32 $0xE080;
	v3 =	vadd.s32 v1, v3  }
0x196: {  	[tilespmem:s9], [sflag:$0x1] =	stream.indirect_vreg.gather [hbm4b:s1+s3], $0x80, v4, vm0, $0xb8;
	[tilespmem:$0x14100] =	vst v63  }
0x197: {  	s19 =	simm.s32 $0xE880  }
0x198: {  	[tilespmem:s19], [sflag:$0x1] =	stream.indirect_vreg.gather [hbm4b:s4+s3], $0x80, v4, vm0, $0xb8;
	[tilespmem:$0x14100] =	vst v63  }
0x199: {  	s19 =	simm.s32 $0xF080  }
0x19a: {  	[tilespmem:s19], [sflag:$0x1] =	stream.indirect_vreg.gather [hbm4b:s1+s3], $0x80, v3, vm0, $0xb8;
	[tilespmem:$0x14100] =	vst v63  }
0x19b: {  	s31 =	simm.s32 $0xF880  }
0x19c: {  	[tilespmem:s31], [sflag:$0x1] =	stream.indirect_vreg.gather [hbm4b:s4+s3], $0x80, v3, vm0, $0xb8;
	[tilespmem:$0x14100] =	vst v63  }
0x19d: {  	_ =	swait.ge [sflag:s14], $0x10000  }
0x19e: {  	[sflag:s14] =	ssyncset.done $0x0  }
0x19f: {  	s15 =	rddreg [dreg:$0x9];
	[sflag:s14] =	ssyncadd.s32 $0xFFFF0000  }
0x1a0: {  	[hbm4b:s15+s3] =	stream.linear.scatter [tilespmem:s2], [sflag:$0x2], $0x10000, $0x38;
	[tilespmem:$0x14100] =	vst v63  }
0x1a1: {  	_ =	swait.ge [sflag:s6], $0x10000  }
0x1a2: {  	[sflag:s6] =	ssyncset.done $0x0  }
0x1a3: {  	s15 =	rddreg [dreg:$0xa];
	[sflag:s6] =	ssyncadd.s32 $0xFFFF0000  }
0x1a4: {  	[tilespmem:s3], [sflag:$0x2] =	stream.linear.gather [hbm4b:s15+s3], $0x80, $0x38;
	[tilespmem:$0x14100] =	vst v63  }
0x1a5: {  	_ =	swait.ge [sflag:s6], $0x80  }
0x1a6: {  	[sflag:s6] =	ssyncset.done $0x0  }
0x1a7: {  	[sflag:s6] =	ssyncadd.s32 $0xFFFFFF80  }
0x1a8: {  	v3 =	vld [tilespmem:$0x0];
	_ =	sdelay $0x4  }
0x1a9: {  	v54 =	vshll.u32 v3, $0x2  }
0x1aa: {  	v3 =	vand.u32 $0x7, v3;
	v4 =	vand.u32 $0xFFFFFFE0, v54  }
0x1ab: {  	v3 =	vor.u32 v3, v4  }
0x1ac: {  	v4 =	vperm.xlane v3, v0;
	_ =	sdelay $0x1  }
0x1ad: {  	v4 =	vadd.s32 v1, v4;
	_ =	sdelay $0x1  }
0x1ae: {  	v3 =	vperm.xlane v3, v2;
	_ =	sdelay $0x1  }
0x1af: {  	v3 =	vadd.s32 v1, v3  }
0x1b0: {  	[tilespmem:s2], [sflag:$0x1] =	stream.indirect_vreg.gather [hbm4b:s1+s3], $0x80, v4, vm0, $0xb8;
	[tilespmem:$0x14100] =	vst v63  }
0x1b1: {  	s15 =	simm.s32 $0x880  }
0x1b2: {  	[tilespmem:s15], [sflag:$0x1] =	stream.indirect_vreg.gather [hbm4b:s4+s3], $0x80, v4, vm0, $0xb8;
	[tilespmem:$0x14100] =	vst v63  }
0x1b3: {  	s15 =	simm.s32 $0x1080  }
0x1b4: {  	[tilespmem:s15], [sflag:$0x1] =	stream.indirect_vreg.gather [hbm4b:s1+s3], $0x80, v3, vm0, $0xb8;
	[tilespmem:$0x14100] =	vst v63  }
0x1b5: {  	s22 =	simm.s32 $0x1880  }
0x1b6: {  	[tilespmem:s22], [sflag:$0x1] =	stream.indirect_vreg.gather [hbm4b:s4+s3], $0x80, v3, vm0, $0xb8;
	[tilespmem:$0x14100] =	vst v63  }
0x1b7: {  	v3 =	vld [tilespmem:$0x10];
	_ =	sdelay $0x4  }
0x1b8: {  	v55 =	vshll.u32 v3, $0x2  }
0x1b9: {  	v3 =	vand.u32 $0x7, v3;
	v4 =	vand.u32 $0xFFFFFFE0, v55  }
0x1ba: {  	v3 =	vor.u32 v3, v4  }
0x1bb: {  	v4 =	vperm.xlane v3, v0;
	_ =	sdelay $0x1  }
0x1bc: {  	v4 =	vadd.s32 v1, v4;
	_ =	sdelay $0x1  }
0x1bd: {  	v3 =	vperm.xlane v3, v2;
	_ =	sdelay $0x1  }
0x1be: {  	s22 =	simm.s32 $0x2080;
	v3 =	vadd.s32 v1, v3  }
0x1bf: {  	[tilespmem:s22], [sflag:$0x1] =	stream.indirect_vreg.gather [hbm4b:s1+s3], $0x80, v4, vm0, $0xb8;
	[tilespmem:$0x14100] =	vst v63  }
0x1c0: {  	s22 =	simm.s32 $0x2880  }
0x1c1: {  	[tilespmem:s22], [sflag:$0x1] =	stream.indirect_vreg.gather [hbm4b:s4+s3], $0x80, v4, vm0, $0xb8;
	[tilespmem:$0x14100] =	vst v63  }
0x1c2: {  	s22 =	simm.s32 $0x3080  }
0x1c3: {  	[tilespmem:s22], [sflag:$0x1] =	stream.indirect_vreg.gather [hbm4b:s1+s3], $0x80, v3, vm0, $0xb8;
	[tilespmem:$0x14100] =	vst v63  }
0x1c4: {  	s22 =	simm.s32 $0x3880  }
0x1c5: {  	[tilespmem:s22], [sflag:$0x1] =	stream.indirect_vreg.gather [hbm4b:s4+s3], $0x80, v3, vm0, $0xb8;
	[tilespmem:$0x14100] =	vst v63  }
0x1c6: {  	v3 =	vld [tilespmem:$0x20];
	_ =	sdelay $0x4  }
0x1c7: {  	v56 =	vshll.u32 v3, $0x2  }
0x1c8: {  	v3 =	vand.u32 $0x7, v3;
	v4 =	vand.u32 $0xFFFFFFE0, v56  }
0x1c9: {  	v3 =	vor.u32 v3, v4  }
0x1ca: {  	v4 =	vperm.xlane v3, v0;
	_ =	sdelay $0x1  }
0x1cb: {  	v4 =	vadd.s32 v1, v4;
	_ =	sdelay $0x1  }
0x1cc: {  	v3 =	vperm.xlane v3, v2;
	_ =	sdelay $0x1  }
0x1cd: {  	s22 =	simm.s32 $0x4080;
	v3 =	vadd.s32 v1, v3  }
0x1ce: {  	[tilespmem:s22], [sflag:$0x1] =	stream.indirect_vreg.gather [hbm4b:s1+s3], $0x80, v4, vm0, $0xb8;
	[tilespmem:$0x14100] =	vst v63  }
0x1cf: {  	s23 =	simm.s32 $0x4880  }
0x1d0: {  	[tilespmem:s23], [sflag:$0x1] =	stream.indirect_vreg.gather [hbm4b:s4+s3], $0x80, v4, vm0, $0xb8;
	[tilespmem:$0x14100] =	vst v63  }
0x1d1: {  	s24 =	simm.s32 $0x5080  }
0x1d2: {  	[tilespmem:s24], [sflag:$0x1] =	stream.indirect_vreg.gather [hbm4b:s1+s3], $0x80, v3, vm0, $0xb8;
	[tilespmem:$0x14100] =	vst v63  }
0x1d3: {  	s25 =	simm.s32 $0x5880  }
0x1d4: {  	[tilespmem:s25], [sflag:$0x1] =	stream.indirect_vreg.gather [hbm4b:s4+s3], $0x80, v3, vm0, $0xb8;
	[tilespmem:$0x14100] =	vst v63  }
0x1d5: {  	v3 =	vld [tilespmem:$0x30];
	_ =	sdelay $0x4  }
0x1d6: {  	v57 =	vshll.u32 v3, $0x2  }
0x1d7: {  	v3 =	vand.u32 $0x7, v3;
	v4 =	vand.u32 $0xFFFFFFE0, v57  }
0x1d8: {  	v3 =	vor.u32 v3, v4  }
0x1d9: {  	v4 =	vperm.xlane v3, v0;
	_ =	sdelay $0x1  }
0x1da: {  	v4 =	vadd.s32 v1, v4;
	_ =	sdelay $0x1  }
0x1db: {  	v3 =	vperm.xlane v3, v2;
	_ =	sdelay $0x1  }
0x1dc: {  	s26 =	simm.s32 $0x6080;
	v3 =	vadd.s32 v1, v3  }
0x1dd: {  	[tilespmem:s26], [sflag:$0x1] =	stream.indirect_vreg.gather [hbm4b:s1+s3], $0x80, v4, vm0, $0xb8;
	[tilespmem:$0x14100] =	vst v63  }
0x1de: {  	s28 =	simm.s32 $0x6880  }
0x1df: {  	[tilespmem:s28], [sflag:$0x1] =	stream.indirect_vreg.gather [hbm4b:s4+s3], $0x80, v4, vm0, $0xb8;
	[tilespmem:$0x14100] =	vst v63  }
0x1e0: {  	s29 =	simm.s32 $0x7080  }
0x1e1: {  	[tilespmem:s29], [sflag:$0x1] =	stream.indirect_vreg.gather [hbm4b:s1+s3], $0x80, v3, vm0, $0xb8;
	[tilespmem:$0x14100] =	vst v63  }
0x1e2: {  	s30 =	simm.s32 $0x7880  }
0x1e3: {  	[tilespmem:s30], [sflag:$0x1] =	stream.indirect_vreg.gather [hbm4b:s4+s3], $0x80, v3, vm0, $0xb8;
	[tilespmem:$0x14100] =	vst v63  }
0x1e4: {  	v3 =	vld [tilespmem:$0x40];
	_ =	sdelay $0x4  }
0x1e5: {  	v58 =	vshll.u32 v3, $0x2  }
0x1e6: {  	v3 =	vand.u32 $0x7, v3;
	v4 =	vand.u32 $0xFFFFFFE0, v58  }
0x1e7: {  	v3 =	vor.u32 v3, v4  }
0x1e8: {  	v4 =	vperm.xlane v3, v0;
	_ =	sdelay $0x1  }
0x1e9: {  	v4 =	vadd.s32 v1, v4;
	_ =	sdelay $0x1  }
0x1ea: {  	v3 =	vperm.xlane v3, v2;
	_ =	sdelay $0x1  }
0x1eb: {  	s16 =	simm.s32 $0x8080;
	v3 =	vadd.s32 v1, v3  }
0x1ec: {  	[tilespmem:s16], [sflag:$0x1] =	stream.indirect_vreg.gather [hbm4b:s1+s3], $0x80, v4, vm0, $0xb8;
	[tilespmem:$0x14100] =	vst v63  }
0x1ed: {  	s10 =	simm.s32 $0x8880  }
0x1ee: {  	[tilespmem:s10], [sflag:$0x1] =	stream.indirect_vreg.gather [hbm4b:s4+s3], $0x80, v4, vm0, $0xb8;
	[tilespmem:$0x14100] =	vst v63  }
0x1ef: {  	s11 =	simm.s32 $0x9080  }
0x1f0: {  	[tilespmem:s11], [sflag:$0x1] =	stream.indirect_vreg.gather [hbm4b:s1+s3], $0x80, v3, vm0, $0xb8;
	[tilespmem:$0x14100] =	vst v63  }
0x1f1: {  	s20 =	simm.s32 $0x9880  }
0x1f2: {  	[tilespmem:s20], [sflag:$0x1] =	stream.indirect_vreg.gather [hbm4b:s4+s3], $0x80, v3, vm0, $0xb8;
	[tilespmem:$0x14100] =	vst v63  }
0x1f3: {  	v3 =	vld [tilespmem:$0x50];
	_ =	sdelay $0x4  }
0x1f4: {  	v59 =	vshll.u32 v3, $0x2  }
0x1f5: {  	v3 =	vand.u32 $0x7, v3;
	v4 =	vand.u32 $0xFFFFFFE0, v59  }
0x1f6: {  	v3 =	vor.u32 v3, v4  }
0x1f7: {  	v4 =	vperm.xlane v3, v0;
	_ =	sdelay $0x1  }
0x1f8: {  	v4 =	vadd.s32 v1, v4;
	_ =	sdelay $0x1  }
0x1f9: {  	v3 =	vperm.xlane v3, v2;
	_ =	sdelay $0x1  }
0x1fa: {  	s12 =	simm.s32 $0xA080;
	v3 =	vadd.s32 v1, v3  }
0x1fb: {  	[tilespmem:s12], [sflag:$0x1] =	stream.indirect_vreg.gather [hbm4b:s1+s3], $0x80, v4, vm0, $0xb8;
	[tilespmem:$0x14100] =	vst v63  }
0x1fc: {  	s13 =	simm.s32 $0xA880  }
0x1fd: {  	[tilespmem:s13], [sflag:$0x1] =	stream.indirect_vreg.gather [hbm4b:s4+s3], $0x80, v4, vm0, $0xb8;
	[tilespmem:$0x14100] =	vst v63  }
0x1fe: {  	s17 =	simm.s32 $0xB080  }
0x1ff: {  	[tilespmem:s17], [sflag:$0x1] =	stream.indirect_vreg.gather [hbm4b:s1+s3], $0x80, v3, vm0, $0xb8;
	[tilespmem:$0x14100] =	vst v63  }
0x200: {  	s17 =	simm.s32 $0xB880  }
0x201: {  	[tilespmem:s17], [sflag:$0x1] =	stream.indirect_vreg.gather [hbm4b:s4+s3], $0x80, v3, vm0, $0xb8;
	[tilespmem:$0x14100] =	vst v63  }
0x202: {  	v3 =	vld [tilespmem:$0x60];
	_ =	sdelay $0x4  }
0x203: {  	v60 =	vshll.u32 v3, $0x2  }
0x204: {  	v3 =	vand.u32 $0x7, v3;
	v4 =	vand.u32 $0xFFFFFFE0, v60  }
0x205: {  	v3 =	vor.u32 v3, v4  }
0x206: {  	v4 =	vperm.xlane v3, v0;
	_ =	sdelay $0x1  }
0x207: {  	v4 =	vadd.s32 v1, v4;
	_ =	sdelay $0x1  }
0x208: {  	v3 =	vperm.xlane v3, v2;
	_ =	sdelay $0x1  }
0x209: {  	s18 =	simm.s32 $0xC080;
	v3 =	vadd.s32 v1, v3  }
0x20a: {  	[tilespmem:s18], [sflag:$0x1] =	stream.indirect_vreg.gather [hbm4b:s1+s3], $0x80, v4, vm0, $0xb8;
	[tilespmem:$0x14100] =	vst v63  }
0x20b: {  	s0 =	simm.s32 $0xC880  }
0x20c: {  	[tilespmem:s0], [sflag:$0x1] =	stream.indirect_vreg.gather [hbm4b:s4+s3], $0x80, v4, vm0, $0xb8;
	[tilespmem:$0x14100] =	vst v63  }
0x20d: {  	s7 =	simm.s32 $0xD080  }
0x20e: {  	[tilespmem:s7], [sflag:$0x1] =	stream.indirect_vreg.gather [hbm4b:s1+s3], $0x80, v3, vm0, $0xb8;
	[tilespmem:$0x14100] =	vst v63  }
0x20f: {  	s21 =	simm.s32 $0xD880  }
0x210: {  	[tilespmem:s21], [sflag:$0x1] =	stream.indirect_vreg.gather [hbm4b:s4+s3], $0x80, v3, vm0, $0xb8;
	[tilespmem:$0x14100] =	vst v63  }
0x211: {  	v3 =	vld [tilespmem:$0x70];
	_ =	sdelay $0x4  }
0x212: {  	v61 =	vshll.u32 v3, $0x2  }
0x213: {  	v3 =	vand.u32 $0x7, v3;
	v4 =	vand.u32 $0xFFFFFFE0, v61  }
0x214: {  	v3 =	vor.u32 v3, v4  }
0x215: {  	v4 =	vperm.xlane v3, v0;
	_ =	sdelay $0x1  }
0x216: {  	v4 =	vadd.s32 v1, v4;
	_ =	sdelay $0x1  }
0x217: {  	v3 =	vperm.xlane v3, v2;
	_ =	sdelay $0x1  }
0x218: {  	s8 =	simm.s32 $0xE080;
	v3 =	vadd.s32 v1, v3  }
0x219: {  	[tilespmem:s8], [sflag:$0x1] =	stream.indirect_vreg.gather [hbm4b:s1+s3], $0x80, v4, vm0, $0xb8;
	[tilespmem:$0x14100] =	vst v63  }
0x21a: {  	s9 =	simm.s32 $0xE880  }
0x21b: {  	[tilespmem:s9], [sflag:$0x1] =	stream.indirect_vreg.gather [hbm4b:s4+s3], $0x80, v4, vm0, $0xb8;
	[tilespmem:$0x14100] =	vst v63  }
0x21c: {  	s19 =	simm.s32 $0xF080  }
0x21d: {  	[tilespmem:s19], [sflag:$0x1] =	stream.indirect_vreg.gather [hbm4b:s1+s3], $0x80, v3, vm0, $0xb8;
	[tilespmem:$0x14100] =	vst v63  }
0x21e: {  	s31 =	simm.s32 $0xF880  }
0x21f: {  	[tilespmem:s31], [sflag:$0x1] =	stream.indirect_vreg.gather [hbm4b:s4+s3], $0x80, v3, vm0, $0xb8;
	[tilespmem:$0x14100] =	vst v63  }
0x220: {  	_ =	swait.ge [sflag:s14], $0x10000  }
0x221: {  	[sflag:s14] =	ssyncset.done $0x0  }
0x222: {  	s19 =	rddreg [dreg:$0xb];
	[sflag:s14] =	ssyncadd.s32 $0xFFFF0000  }
0x223: {  	[hbm4b:s19+s3] =	stream.linear.scatter [tilespmem:s2], [sflag:$0x2], $0x10000, $0x38;
	[tilespmem:$0x14100] =	vst v63  }
0x224: {  	_ =	swait.ge [sflag:s6], $0x10000  }
0x225: {  	s20 =	rddreg [dreg:$0xc];
	[sflag:s6] =	ssyncset.done $0x0  }
0x226: {  	s21 =	rddreg [dreg:$0xe];
	[sflag:s6] =	ssyncadd.s32 $0xFFFF0000  }
0x227: {  	[tilespmem:s21], [sflag:$0x2] =	stream.linear.gather [hbm4b:s20+s3], $0x20, $0x38;
	[tilespmem:$0x14100] =	vst v63  }
0x228: {  	_ =	swait.ge [sflag:s6], $0x20  }
0x229: {  	[sflag:s6] =	ssyncset.done $0x0  }
0x22a: {  	[sflag:s6] =	ssyncadd.s32 $0xFFFFFFE0  }
0x22b: {  	v3 =	vld [tilespmem:$0x10080];
	_ =	sdelay $0x4  }
0x22c: {  	v62 =	vshll.u32 v3, $0x2  }
0x22d: {  	v3 =	vand.u32 $0x7, v3;
	v4 =	vand.u32 $0xFFFFFFE0, v62  }
0x22e: {  	v3 =	vor.u32 v3, v4  }
0x22f: {  	v4 =	vperm.xlane v3, v0;
	_ =	sdelay $0x1  }
0x230: {  	v4 =	vadd.s32 v1, v4;
	_ =	sdelay $0x1  }
0x231: {  	v3 =	vperm.xlane v3, v2;
	_ =	sdelay $0x1  }
0x232: {  	s23 =	simm.s32 $0x10100;
	v3 =	vadd.s32 v1, v3  }
0x233: {  	[tilespmem:s23], [sflag:$0x1] =	stream.indirect_vreg.gather [hbm4b:s1+s3], $0x80, v4, vm0, $0xb8;
	[tilespmem:$0x14100] =	vst v63  }
0x234: {  	s22 =	rddreg [dreg:$0xf]  }
0x235: {  	[tilespmem:s22], [sflag:$0x1] =	stream.indirect_vreg.gather [hbm4b:s4+s3], $0x80, v4, vm0, $0xb8;
	[tilespmem:$0x14100] =	vst v63  }
0x236: {  	s24 =	rddreg [dreg:$0x10]  }
0x237: {  	[tilespmem:s24], [sflag:$0x1] =	stream.indirect_vreg.gather [hbm4b:s1+s3], $0x80, v3, vm0, $0xb8;
	[tilespmem:$0x14100] =	vst v63  }
0x238: {  	s25 =	rddreg [dreg:$0x11]  }
0x239: {  	[tilespmem:s25], [sflag:$0x1] =	stream.indirect_vreg.gather [hbm4b:s4+s3], $0x80, v3, vm0, $0xb8;
	[tilespmem:$0x14100] =	vst v63  }
0x23a: {  	v3 =	vld [tilespmem:$0x10090];
	_ =	sdelay $0x4  }
0x23b: {  	v63 =	vshll.u32 v3, $0x2  }
0x23c: {  	v3 =	vand.u32 $0x7, v3;
	v4 =	vand.u32 $0xFFFFFFE0, v63  }
0x23d: {  	v3 =	vor.u32 v3, v4  }
0x23e: {  	v4 =	vperm.xlane v3, v0;
	_ =	sdelay $0x1  }
0x23f: {  	v4 =	vadd.s32 v1, v4;
	_ =	sdelay $0x1  }
0x240: {  	v3 =	vperm.xlane v3, v2;
	_ =	sdelay $0x1  }
0x241: {  	s26 =	rddreg [dreg:$0x12];
	v3 =	vadd.s32 v1, v3  }
0x242: {  	[tilespmem:s26], [sflag:$0x1] =	stream.indirect_vreg.gather [hbm4b:s1+s3], $0x80, v4, vm0, $0xb8;
	[tilespmem:$0x14100] =	vst v63  }
0x243: {  	s28 =	rddreg [dreg:$0x13]  }
0x244: {  	[tilespmem:s28], [sflag:$0x1] =	stream.indirect_vreg.gather [hbm4b:s4+s3], $0x80, v4, vm0, $0xb8;
	[tilespmem:$0x14100] =	vst v63  }
0x245: {  	s29 =	rddreg [dreg:$0x14]  }
0x246: {  	[tilespmem:s29], [sflag:$0x1] =	stream.indirect_vreg.gather [hbm4b:s1+s3], $0x80, v3, vm0, $0xb8;
	[tilespmem:$0x14100] =	vst v63  }
0x247: {  	s30 =	rddreg [dreg:$0x15]  }
0x248: {  	[tilespmem:s30], [sflag:$0x1] =	stream.indirect_vreg.gather [hbm4b:s4+s3], $0x80, v3, vm0, $0xb8;
	[tilespmem:$0x14100] =	vst v63  }
0x249: {  	_ =	swait.ge [sflag:s14], $0x4000  }
0x24a: {  	p0 =	sne.s32 s5, $0x1;
	[sflag:s14] =	ssyncset.done $0x0  }
.Ltmp0:
0x24b: {  	s31 =	rddreg [dreg:$0xd];
	[sflag:s14] =	ssyncadd.s32 $0xFFFFC000;
	(pc) =	sbr.rel @p0 .LBB2_1-.Ltmp0, $4  }
0x24c: {  	[hbm4b:s31+s3] =	stream.linear.scatter [tilespmem:s23], [sflag:$0x2], $0x4000, $0x38;
	[tilespmem:$0x14100] =	vst v63  }
0x24d: {  	_ =	swait.ge [sflag:s6], $0x4000  }
0x24e: {  	[sflag:s6] =	ssyncset.done $0x0  }
0x24f: {  	s5 =	sadd.s32 $0xFFFFFFFF, s5;
	[sflag:s6] =	ssyncadd.s32 $0xFFFFC000  }
0x250: {  	_ =	sfence.sel $0x180000  }
0x251: {  	[bflag:$0x0] =	sbarrier.arrive $0xFFFF  }
0x252: {  	_ =	strace $0x9000004A  }
0x253: {  	s0 =	stileid.u32;
	[bflag:$0x2] =	sbarrier.arrive $0xFFFF  }
0x254: {  	p0 =	sne.s32 s0, $0x0;
	s0 =	rddreg [dreg:$0x3]  }
0x255: {  	s0 =	sadd.s32 @!p0 $0x100000, s0  }
0x256: {  	[sflag:s0] =	ssyncadd.tile.s32 @!p0 $0x1;
	_ =	shalt  }
.Lfunc_end2:
_tile_overlayer_lowered:
.L_overlay_start_2:
0x257: {  	(tag) =	ssettag $0x2  }
0x258: {  	s0 =	rddreg [dreg:$0x0];
	s2 =	stileid.u32  }
0x259: {  	s1 =	rddreg [dreg:$0x1];
	p0 =	sne.s32 s2, $0x0  }
0x25a: {  	s3 =	rddreg [dreg:$0x2];
	[bflag:$0x3] =	sbarrier.arrive $0xFFFF;
	s2 =	simm.s32 @!p0 $0x1C02  }
0x25b: {  	[timem:s3], [sflag:s2] =	dma.local @!p0 [hbm:s0], s1  }
0x25c: {  	s0 =	simm.s32 @!p0 $0x2  }
0x25d: {  	_ =	swait.ge @!p0 [sflag:s0], s1  }
0x25e: {  	s1 =	ssub.s32 @!p0 $0x0, s1;
	[sflag:s0] =	ssyncset.done @!p0 $0x0  }
0x25f: {  	[sflag:s0] =	ssyncadd.s32 @!p0 s1  }
0x260: {  	[bflag:$0x3] =	sbarrier.arrive $0xFFFF  }
0x261: {  	_ =	shalt  }

// kernel: sparse-core-data-format-call.cloned.1.call-start
scs
called_computation_lowered:
.L_overlay_start_0:
0x0: {  	s1 =	sld [smem:$0x3FD9]  }
0x1: {  	s2 =	sld [smem:$0x3FFE];
	_ =	sdelay $0x1  }
0x2: {  	s3 =	srdreg.scid  }
0x3: {  	s0 =	sand.u32 $0x1, s3  }
0x4: {  	s17 =	sshll.u32 s0, $0xA;
	s1 =	sadd.s32 s2, s1  }
0x5: {  	s1 =	sadd.s32 s1, s17  }
0x6: {  	[smem:$0x3F77] =	sst s1  }
0x7: {  	_ = 	snop  }
0x8: {  	(tm) =	ssettm $0x1  }
0x9: {  	s18 =	sld [smem:$0x3FFB];
	_ =	sdelay $0x3  }
0xa: {  	_ =	strace s18  }
0xb: {  	s1 =	sld [smem:$0x3FFC];
	_ =	sdelay $0x3  }
0xc: {  	_ =	strace s1  }
0xd: {  	s1 =	sld [smem:$0x3FFD];
	_ =	sdelay $0x3  }
0xe: {  	_ =	strace s1  }
0xf: {  	_ =	strace $0x8FFFFFFF  }
0x10: {  	s19 =	sld [smem:$0x3FDB];
	_ =	sdelay $0x1  }
0x11: {  	s20 =	simm.s32 $_scs_section_size  }
0x12: {  	s4 =	simm.s32 $_size__tile_overlayer_lowered;
	s5 =	simm.s32 $_tile_overlayer_lowered  }
0x13: {  	s23 =	simm.s32 $0x1BFF;
	s22 =	sshll.u32 s5, $0x1;
	s1 =	sadd.s32 s20, s19  }
0x14: {  	s6 =	simm.s32 $0x0;
	s21 =	sshll.u32 s4, $0x1;
	s4 =	sadd.s32 s22, s1  }
0x15: {  	[timem:s6], [sflag:s23] =	dma.local [hbm:s4], s21  }
0x16: {  	_ =	swait.ge [sflag:s23], s21  }
0x17: {  	s2 =	ssub.s32 $0x0, s21;
	[sflag:s23] =	ssyncset.done $0x0  }
0x18: {  	[sflag:s23] =	ssyncadd.s32 s2;
	_ =	sdelay $0x1  }
0x19: {  	s24 =	simm.s32 $0x1B8B  }
0x1a: {  	_ =	swait.ge [sflag:s24], $0x1  }
0x1b: {  	[sflag:s24] =	ssyncset.done $0x0  }
0x1c: {  	s26 =	simm.s32 $0x1B8E;
	s25 =	sld [smem:$0x3FFE];
	[sflag:s24] =	ssyncadd.s32 $0xFFFFFFFF  }
0x1d: {  	s27 =	simm.s32 $execute0_lowered;
	[smem:$0x3FD2] =	sst s26  }
0x1e: {  	s4 =	sshll.u32 s27, $0x1;
	_ =	strace $0x80000046;
	[dreg:$0x1] =	wrdreg $0xFFFFFFFF  }
0x1f: {  	s28 =	simm.s32 $_size_execute0_lowered;
	s1 =	sadd.s32 s1, s4;
	[dreg:$0x0] =	wrdreg $0x0  }
0x20: {  	s4 =	sshll.u32 s28, $0x1;
	[dreg:$0x2] =	wrdreg s1  }
0x21: {  	[dreg:$0x3] =	wrdreg s4  }
0x22: {  	[dreg:$0x4] =	wrdreg $0xC0  }
0x23: {  	_ =	task [dreg:s6], $0x5FFFF  }
0x24: {  	[dreg:$0x1] =	wrdreg $0xFFFFFFFF  }
0x25: {  	[dreg:$0x0] =	wrdreg $0x60  }
0x26: {  	[dreg:$0x2] =	wrdreg s25  }
0x27: {  	[dreg:$0x3] =	wrdreg $0x9  }
0x28: {  	_ =	task.clear_ibuf [dreg:s6], $0x4FFFF;
	_ =	strace $0x90000046  }
0x29: {  	s29 =	simm.s32 $0x9;
	_ =	strace $0x80000048  }
0x2a: {  	_ =	swait.ge [sflag:s29], $0x1  }
0x2b: {  	[sflag:s29] =	ssyncadd.s32 $0xFFFFFFFF  }
0x2c: {  	_ =	strace $0x90000048  }
0x2d: {  	_ =	sfence  }
0x2e: {  	s30 =	sld [smem:$0x0];
	_ =	sdelay $0x2  }
0x2f: {  	s31 =	sshll.u32 s3, $0xD;
	s3 =	sshrl.u32 s3, $0x2  }
0x30: {  	s2 =	sand.u32 $0x4000, s31;
	s1 =	sadd.s32 s3, s30  }
0x31: {  	s0 =	sor.u32 s2, s0;
	s1 =	sshll.u32 s1, $0x11  }
0x32: {  	s0 =	sor.u32 s1, s0  }
0x33: {  	s0 =	sadd.s32 $0x8F2B, s0  }
0x34: {  	[sflag:s0] =	ssyncadd.remote.s32 $0x1  }
0x35: {  	_ =	sfence.sel $0xFFFF  }
0x36: {  	[dreg:$0x0] =	wrdreg $0xFFFFFFFF;
	(pc) =	sbr.abs _section_cstart, $3  }
0x37: {  	[dreg:$0x1] =	wrdreg $0xFFFFFFFF  }
0x38: {  	_ =	task.clear_ibuf [dreg:s6], $0x2FFFF;
	_ =	strace $0x9FFFFFFF  }
0x39: {  	(tm) =	ssettm $0x7FFFFFFF  }
tec
execute0_lowered:
.L_overlay_start_1:
0x0: {  	(tag) =	ssettag $0x1  }
0x1: {  	s7 =	rddreg [dreg:$0x0]  }
0x2: {  	s1 =	stileid.u32;
	s0 =	rddreg [dreg:$0x1]  }
0x3: {  	_ =	strace $0x80000047;
	s4 =	srdreg.scid;
	s30 =	simm.s32 $0x2  }
0x4: {  	s17 =	simm.s32 $0x0;
	s12 =	simm.s32 $0x0;
	s16 =	simm.s32 $0x0  }
0x5: {  	s15 =	simm.s32 $0x0;
	s14 =	simm.s32 $0x0;
	s2 =	sshll.u32 s1, $0x6  }
0x6: {  	s3 =	sand.u32 $0x1, s1;
	s5 =	sshll.u32 s1, $0x4;
	s4 =	sshll.u32 s4, $0x8  }
0x7: {  	s2 =	sand.u32 $0x180, s2;
	s4 =	sor.u32 s5, s4;
	s26 =	ssub.s32 $0x22, s3  }
0x8: {  	s13 =	smov.u32 s3;
	s8 =	sshrl.u32 s26, $0x1;
	s9 =	ssub.s32 $0x200, s2  }
0x9: {  	s5 =	sand.u32 $0x1, s26;
	s4 =	sand.u32 $0x180, s4;
	s27 =	sand.u32 $0x180, s9  }
0xa: {  	s5 =	sadd.s32 s5, s8;
	s8 =	simm.s32 $0x1;
	p0 =	sne.s32 s27, $0x0  }
0xb: {  	s10 =	ssub.s32 $0x200, s4;
	s9 =	sshrl.u32 s9, $0x9;
	s8 =	simm.s32 @!p0 $0x0  }
0xc: {  	s6 =	sshll.u32 s2, $0x6;
	s11 =	sand.u32 $0x180, s10;
	s8 =	sadd.s32 s8, s9  }
0xd: {  	p0 =	sne.s32 s11, $0x0;
	s9 =	simm.s32 $0x1;
	s8 =	smul.u32 s5, s8  }
.Ltmp0:
0xe: {  	s10 =	sshrl.u32 s10, $0x9;
	s9 =	simm.s32 @!p0 $0x0;
	(pc) =	sbr.rel .LBB1_1-.Ltmp0, $4  }
0xf: {  	s28 =	sadd.s32 s6, s7;
	s7 =	sadd.s32 $0x4800, s7;
	s29 =	sadd.s32 s9, s10  }
0x10: {  	s31 =	sadd.s32 s4, s28;
	s5 =	simm.s32 $0x1;
	s6 =	smul.u32 s29, s8  }
0x11: {  	s11 =	simm.s32 $0x5000;
	[sflag:s5] =	ssyncpa.u1 $0x0;
	s10 =	simm.s32 $0x80  }
0x12: {  	[sflag:s30] =	ssyncpa.u1 $0x0;
	s8 =	sadd.s32 $0x144800, s31;
	s9 =	sadd.s32 $0x1, s6  }
.LBB1_4:
0x13: {  	_ =	sdelay $0x3  }
0x14: {  	[tilespmem:v0+s20+$0xFFFFFFA0 ss:$0x1] =	vst.idx.msk $0xffff, v7  }
0x15: {  	v56 =	vld.idx.msk [tilespmem:v1+s19+$0x30 ss:$0x1], $0xffff;
	[tilespmem:v0+s20+$0xFFFFFFB0 ss:$0x1] =	vst.idx.msk $0xffff, v5  }
0x16: {  	s21 =	sshll.u32 s15, $0x9;
	v57 =	vld.idx.msk [tilespmem:v1+s19+$0xFFFFFFC0 ss:$0x1], $0xffff;
	[tilespmem:v0+s20+$0xFFFFFFC0 ss:$0x1] =	vst.idx.msk $0xffff, v4  }
0x17: {  	s17 =	sshll.u32 s17, $0x3;
	s22 =	sshll.u32 s15, $0x7;
	v58 =	vld.idx.msk [tilespmem:v1+s19+$0xFFFFFFD0 ss:$0x1], $0xffff;
	[tilespmem:v0+s20+$0xFFFFFFD0 ss:$0x1] =	vst.idx.msk $0xffff, v3;
	s21 =	sand.u32 $0xFFFFF000, s21  }
0x18: {  	v59 =	vld.idx.msk [tilespmem:v1+s19+$0xFFFFFFE0 ss:$0x1], $0xffff;
	[tilespmem:v0+s20+$0xFFFFFFE0 ss:$0x1] =	vst.idx.msk $0xffff, v2;
	s29 =	sand.u32 $0x200, s22;
	s17 =	sor.u32 s21, s17  }
0x19: {  	v60 =	vld.idx.msk [tilespmem:v1+s19+$0xFFFFFFF0 ss:$0x1], $0xffff;
	[tilespmem:v0+s20+$0xFFFFFFF0 ss:$0x1] =	vst.idx.msk $0xffff, v6;
	s17 =	sor.u32 s29, s17  }
0x1a: {  	v61 =	vld.idx.msk [tilespmem:v1+s19+$0x0 ss:$0x1], $0xffff;
	s17 =	sshrl.u32 s17, $0x9;
	[tilespmem:v0+s19+$0x0 ss:$0x1] =	vst.idx.msk $0xffff, v56  }
0x1b: {  	v62 =	vld.idx.msk [tilespmem:v1+s19+$0x10 ss:$0x1], $0xffff;
	s30 =	smulhi.u32 $0x6666667, s17;
	[tilespmem:v0+s19+$0xFFFFFF90 ss:$0x1] =	vst.idx.msk $0xffff, v57  }
0x1c: {  	v63 =	vld.idx.msk [tilespmem:v1+s19+$0x20 ss:$0x1], $0xffff;
	s16 =	smul.u32 $0xA00, s16;
	[tilespmem:v0+s19+$0xFFFFFFA0 ss:$0x1] =	vst.idx.msk $0xffff, v58  }
0x1d: {  	[tilespmem:v0+s19+$0xFFFFFFB0 ss:$0x1] =	vst.idx.msk $0xffff, v59;
	s20 =	smul.u32 $0x28, s30  }
0x1e: {  	s31 =	sshll.u32 s15, $0x4;
	[tilespmem:v0+s19+$0xFFFFFFC0 ss:$0x1] =	vst.idx.msk $0xffff, v60  }
0x1f: {  	s15 =	sand.u32 $0x30, s31;
	s16 =	sadd.s32 s7, s16;
	[tilespmem:v0+s19+$0xFFFFFFD0 ss:$0x1] =	vst.idx.msk $0xffff, v61;
	s17 =	ssub.s32 s17, s20  }
0x20: {  	s15 =	sadd.s32 s15, s16;
	[tilespmem:v0+s19+$0xFFFFFFE0 ss:$0x1] =	vst.idx.msk $0xffff, v62;
	s17 =	sshll.u32 s17, $0x6  }
0x21: {  	[tilespmem:v0+s19+$0xFFFFFFF0 ss:$0x1] =	vst.idx.msk $0xffff, v63;
	s15 =	sadd.s32 s17, s15  }
0x22: {  	[hbm4b:s15+s10] =	stream.strided.scatter [tilespmem:s18], [sflag:$0x2], $0x4000, s11, s10, $0x38;
	[tilespmem:$0x10000] =	vst v63  }
.LBB1_5:
0x23: {  	s18 =	sadd.s32 $0x2, s13  }
0x24: {  	p1 =	sgt.s32 s18, $0x21  }
0x25: {  	s18 =	smov.u32 @p1 s3;
	p1 =	sne.s32 s14, s9  }
.Ltmp1:
0x26: {  	p0 =	slt.u32 s14, $0x2;
	(pc) =	sbr.rel @!p1 .LBB1_6-.Ltmp1, $4  }
0x27: {  	s19 =	sadd.s32 $0x1, s14;
	s16 =	simm.s32 @!p0 $0x2  }
0x28: {  	s15 =	smov.u32 s13;
	s12 =	sadd.s32 $0x4000, s12;
	_ =	swait.ge @!p0 [sflag:s16], $0x4000  }
0x29: {  	s17 =	smov.u32 s4;
	s14 =	smov.u32 s19;
	[sflag:s16] =	ssyncset.done @!p0 $0x0  }
0x2a: {  	s13 =	smov.u32 s18;
	[sflag:s16] =	ssyncadd.s32 @!p0 $0xFFFFC000;
	s16 =	smov.u32 s2  }
.LBB1_1:
0x2b: {  	p0 =	sge.u32 s14, s6  }
0x2c: {  	s31 =	sadd.s32 $0xFFFFFFFF, s14;
	s18 =	sxor.u32 @!p0 $0xFFFFFFFF, s14  }
0x2d: {  	s19 =	sshll.u32 @!p0 s13, $0xF;
	s20 =	simm.s32 @!p0 $0x400;
	s18 =	sshll.u32 @!p0 s18, $0xE  }
0x2e: {  	s21 =	simm.s32 @!p0 $0x1000;
	s19 =	sadd.s32 @!p0 s19, s8;
	s18 =	sand.u32 @!p0 $0x4000, s18  }
0x2f: {  	[tilespmem:s18], [sflag:$0x1] =	stream.strided.gather @!p0 [hbm4b:s19+s20], $0x4000, s21, s20, $0x38;
	[tilespmem:$0x10000] =	vst v63  }
0x30: {  	p0 =	sge.u32 s31, s6  }
.Ltmp2:
0x31: {  	_ = 	snop;
	(pc) =	sbr.rel @p0 .LBB1_5-.Ltmp2, $1  }
0x32: {  	_ =	sdelay $0x3  }
0x33: {  	s18 =	sand.u32 $0x4000, s12  }
0x34: {  	s19 =	sor.u32 $0x40, s18  }
0x35: {  	v1 =	vmov s19;
	_ =	sdelay $0x1  }
0x36: {  	_ =	swait.ge [sflag:s5], $0x4000  }
0x37: {  	[sflag:s5] =	ssyncset.done $0x0  }
0x38: {  	s20 =	simm.s32 $0x0;
	[sflag:s5] =	ssyncadd.s32 $0xFFFFC000  }
0x39: {  	s18 =	sor.u32 $0x8070, s18;
	v6 =	vld.idx.msk [tilespmem:v1+s20+$0x30 ss:$0x1], $0xffff  }
0x3a: {  	v0 =	vmov s18;
	v8 =	vld.idx.msk [tilespmem:v1+s20+$0xFFFFFFC0 ss:$0x1], $0xffff  }
0x3b: {  	v7 =	vld.idx.msk [tilespmem:v1+s20+$0xFFFFFFD0 ss:$0x1], $0xffff  }
0x3c: {  	v5 =	vld.idx.msk [tilespmem:v1+s20+$0xFFFFFFE0 ss:$0x1], $0xffff  }
0x3d: {  	v4 =	vld.idx.msk [tilespmem:v1+s20+$0xFFFFFFF0 ss:$0x1], $0xffff  }
0x3e: {  	s31 =	sshll.u32 s14, $0xE;
	v3 =	vld.idx.msk [tilespmem:v1+s20+$0x0 ss:$0x1], $0xffff  }
0x3f: {  	s18 =	sand.u32 $0x4000, s31;
	v2 =	vld.idx.msk [tilespmem:v1+s20+$0x10 ss:$0x1], $0xffff;
	[tilespmem:v0+s20+$0x0 ss:$0x1] =	vst.idx.msk $0xffff, v6  }
0x40: {  	s21 =	simm.s32 $0x400;
	s19 =	simm.s32 $0x80;
	s18 =	sor.u32 $0x8000, s18;
	[tilespmem:v0+s20+$0xFFFFFF90 ss:$0x1] =	vst.idx.msk $0xffff, v8;
	v6 =	vld.idx.msk [tilespmem:v1+s20+$0x20 ss:$0x1], $0xffff  }
.LBB1_3:
0x41: {  	p0 =	sne.s32 s21, $0xFE00;
	v8 =	vld.idx.msk [tilespmem:v1+s19+$0x30 ss:$0x1], $0xffff;
	[tilespmem:v0+s20+$0xFFFFFFA0 ss:$0x1] =	vst.idx.msk $0xffff, v7  }
0x42: {  	v9 =	vld.idx.msk [tilespmem:v1+s19+$0xFFFFFFC0 ss:$0x1], $0xffff;
	[tilespmem:v0+s20+$0xFFFFFFB0 ss:$0x1] =	vst.idx.msk $0xffff, v5  }
0x43: {  	v7 =	vld.idx.msk [tilespmem:v1+s19+$0xFFFFFFD0 ss:$0x1], $0xffff;
	[tilespmem:v0+s20+$0xFFFFFFC0 ss:$0x1] =	vst.idx.msk $0xffff, v4  }
.Ltmp3:
0x44: {  	v5 =	vld.idx.msk [tilespmem:v1+s19+$0xFFFFFFE0 ss:$0x1], $0xffff;
	[tilespmem:v0+s20+$0xFFFFFFD0 ss:$0x1] =	vst.idx.msk $0xffff, v3;
	(pc) =	sbr.rel @p0 .LBB1_3-.Ltmp3, $4  }
0x45: {  	v4 =	vld.idx.msk [tilespmem:v1+s19+$0xFFFFFFF0 ss:$0x1], $0xffff;
	[tilespmem:v0+s20+$0xFFFFFFE0 ss:$0x1] =	vst.idx.msk $0xffff, v2  }
0x46: {  	v3 =	vld.idx.msk [tilespmem:v1+s19+$0x0 ss:$0x1], $0xffff;
	[tilespmem:v0+s20+$0xFFFFFFF0 ss:$0x1] =	vst.idx.msk $0xffff, v6;
	s20 =	smov.u32 s19  }
0x47: {  	v2 =	vld.idx.msk [tilespmem:v1+s20+$0x10 ss:$0x1], $0xffff;
	[tilespmem:v0+s20+$0x0 ss:$0x1] =	vst.idx.msk $0xffff, v8  }
0x48: {  	s19 =	sshra.s32 s21, $0x2;
	s21 =	sadd.s32 $0x200, s21;
	[tilespmem:v0+s20+$0xFFFFFF90 ss:$0x1] =	vst.idx.msk $0xffff, v9;
	v6 =	vld.idx.msk [tilespmem:v1+s20+$0x20 ss:$0x1], $0xffff  }
.Ltmp4:
0x49: {  	_ = 	snop;
	(pc) =	sbr.rel .LBB1_4-.Ltmp4, $1  }
0x4a: {  	_ =	sdelay $0x3  }
.LBB1_6:
0x4b: {  	_ =	sfence.sel $0x180000  }
0x4c: {  	s2 =	simm.s32 $0x1;
	[bflag:$0x0] =	sbarrier.arrive $0xFFFF  }
0x4d: {  	s31 =	simm.s32 $0x2;
	[sflag:s2] =	ssyncpa.u1 $0x1  }
0x4e: {  	[sflag:s31] =	ssyncpa.u1 $0x1  }
0x4f: {  	p0 =	sne.s32 s1, $0x0;
	_ =	strace $0x90000047  }
0x50: {  	s0 =	sadd.s32 @!p0 $0x100000, s0;
	[bflag:$0x2] =	sbarrier.arrive $0xFFFF  }
0x51: {  	[sflag:s0] =	ssyncadd.tile.s32 @!p0 $0x1;
	_ =	shalt  }
.Lfunc_end1:
_tile_overlayer_lowered:
.L_overlay_start_2:
0x52: {  	(tag) =	ssettag $0x2  }
0x53: {  	s0 =	rddreg [dreg:$0x0];
	s2 =	stileid.u32  }
0x54: {  	s1 =	rddreg [dreg:$0x1];
	p0 =	sne.s32 s2, $0x0  }
0x55: {  	s3 =	rddreg [dreg:$0x2];
	[bflag:$0x3] =	sbarrier.arrive $0xFFFF;
	s2 =	simm.s32 @!p0 $0x1C01  }
0x56: {  	[timem:s3], [sflag:s2] =	dma.local @!p0 [hbm:s0], s1  }
0x57: {  	s0 =	simm.s32 @!p0 $0x1  }
0x58: {  	_ =	swait.ge @!p0 [sflag:s0], s1  }
0x59: {  	s1 =	ssub.s32 @!p0 $0x0, s1;
	[sflag:s0] =	ssyncset.done @!p0 $0x0  }
0x5a: {  	[sflag:s0] =	ssyncadd.s32 @!p0 s1  }
0x5b: {  	[bflag:$0x3] =	sbarrier.arrive $0xFFFF  }
0x5c: {  	_ =	shalt  }

</sc_bundles>
